<compile_context>
chip_gen: v7x
topology: tpu7x:2x2x1
jax: 0.10.2.dev20260603
libtpu: 0.0.44.dev20260713+nightly
codegen_flags: <defaults>
</compile_context>

<pallas_src>
import functools

import jax
import jax.numpy as jnp
from jax import lax
from jax.experimental import pallas as pl
from jax.experimental.pallas import tpu as pltpu
from jax.experimental.pallas import tpu_sc as plsc

N = 10000
E = 320000
D_IN = 128
D_HID = 64
D_OUT = 128

NT = 16
EPT = E // NT
RPT = 640
NPAD = RPT * NT
DEGW = 16
RB = 1280
GRID_R = NPAD // RB

DCH = 125
DIB = 20
DNB = EPT // (DIB * DCH)

GCH = 80
GIB = 25
GNB = EPT // (GIB * GCH)


def _make_deg_kernel():
    mesh = plsc.VectorSubcoreMesh(core_axis_name="c", subcore_axis_name="s")

    @functools.partial(
        pl.kernel,
        mesh=mesh,
        compiler_params=pltpu.CompilerParams(use_tc_tiling_on_sc=False),
        out_type=jax.ShapeDtypeStruct((2, NPAD, DEGW), jnp.float32),
        scratch_types=[
            pltpu.VMEM((2, DIB, DCH), jnp.int32),
            pltpu.VMEM((DCH, DEGW), jnp.float32),
            pltpu.VMEM_SHARED((NPAD, DEGW), jnp.float32),
            pltpu.SemaphoreType.DMA,
            pltpu.SemaphoreType.DMA,
        ],
    )
    def deg_kernel(dst_hbm, ones_hbm, zeros_hbm, out_hbm, dst_v, ones_v, acc, isem, ssem):
        g = lax.axis_index("c")
        s = lax.axis_index("s")
        base = s * RPT
        pltpu.async_copy(dst_hbm.at[g, s, 0], dst_v.at[0], isem)
        pltpu.sync_copy(ones_hbm, ones_v)
        pltpu.sync_copy(zeros_hbm, acc.at[pl.ds(base, RPT)])
        pltpu.make_async_copy(dst_hbm.at[g, s, 0], dst_v.at[0], isem).wait()
        plsc.subcore_barrier()

        def block(b, carry):
            bb = b % 2
            nb = (b + 1) % 2

            @pl.when(b + 1 < DNB)
            def _():
                pltpu.async_copy(dst_hbm.at[g, s, b + 1], dst_v.at[nb], isem)

            def step(c, carry2):
                pltpu.async_copy(ones_v, acc.at[dst_v.at[bb, c]], ssem, add=True)
                return carry2

            lax.fori_loop(0, DIB, step, 0)

            def drain(c, carry2):
                pltpu.make_async_copy(ones_v, acc.at[dst_v.at[bb, 0]], ssem).wait()
                return carry2

            lax.fori_loop(0, DIB, drain, 0)

            @pl.when(b + 1 < DNB)
            def _():
                pltpu.make_async_copy(dst_hbm.at[g, s, b + 1], dst_v.at[nb], isem).wait()

            return carry

        lax.fori_loop(0, DNB, block, 0)
        plsc.subcore_barrier()
        pltpu.sync_copy(acc.at[pl.ds(base, RPT)], out_hbm.at[g, pl.ds(base, RPT)])

    return deg_kernel


def _make_gs_kernel(d, NR):
    LA = NR - 1
    mesh = plsc.VectorSubcoreMesh(core_axis_name="c", subcore_axis_name="s")

    @functools.partial(
        pl.kernel,
        mesh=mesh,
        compiler_params=pltpu.CompilerParams(use_tc_tiling_on_sc=False),
        out_type=jax.ShapeDtypeStruct((2, NPAD, d), jnp.float32),
        scratch_types=[
            pltpu.VMEM((2, GIB, GCH), jnp.int32),
            pltpu.VMEM((2, GIB, GCH), jnp.int32),
            pltpu.VMEM((NR, GCH, d), jnp.float32),
            pltpu.VMEM_SHARED((NPAD, d), jnp.float32),
            pltpu.SemaphoreType.DMA,
            pltpu.SemaphoreType.DMA,
            pltpu.SemaphoreType.DMA,
        ],
    )
    def gs_kernel(src_hbm, dst_hbm, y_hbm, out_hbm, src_v, dst_v, rows_v, acc, isem, gsem, ssem):
        g = lax.axis_index("c")
        s = lax.axis_index("s")
        base = s * RPT
        pltpu.async_copy(src_hbm.at[g, s, 0], src_v.at[0], isem)
        pltpu.async_copy(dst_hbm.at[g, s, 0], dst_v.at[0], isem)
        pltpu.sync_copy(y_hbm.at[pl.ds(g * NPAD + base, RPT)], acc.at[pl.ds(base, RPT)])
        pltpu.make_async_copy(src_hbm.at[g, s, 0], src_v.at[0], isem).wait()
        pltpu.make_async_copy(dst_hbm.at[g, s, 0], dst_v.at[0], isem).wait()
        plsc.subcore_barrier()
        for j in range(LA):
            pltpu.async_copy(y_hbm.at[src_v.at[0, j]], rows_v.at[j], gsem)

        def block(b, carry):
            bb = b % 2
            nb = (b + 1) % 2

            @pl.when(b + 1 < GNB)
            def _():
                pltpu.async_copy(src_hbm.at[g, s, b + 1], src_v.at[nb], isem)
                pltpu.async_copy(dst_hbm.at[g, s, b + 1], dst_v.at[nb], isem)

            def step(c, carry2):
                k = b * GIB + c
                cur = k % NR
                pre = (k + LA) % NR

                @pl.when(k >= 1)
                def _():
                    pltpu.make_async_copy(
                        rows_v.at[pre], acc.at[dst_v.at[bb, c]], ssem
                    ).wait()

                cross = jnp.logical_and(c + LA >= GIB, b + 1 < GNB)

                @pl.when(jnp.logical_and(cross, c + LA == GIB))
                def _():
                    pltpu.make_async_copy(src_hbm.at[g, s, b + 1], src_v.at[nb], isem).wait()
                    pltpu.make_async_copy(dst_hbm.at[g, s, b + 1], dst_v.at[nb], isem).wait()

                @pl.when(c + LA < GIB)
                def _():
                    pltpu.async_copy(y_hbm.at[src_v.at[bb, c + LA]], rows_v.at[pre], gsem)

                @pl.when(cross)
                def _():
                    pltpu.async_copy(y_hbm.at[src_v.at[nb, c + LA - GIB]], rows_v.at[pre], gsem)

                pltpu.make_async_copy(y_hbm.at[src_v.at[bb, c]], rows_v.at[cur], gsem).wait()
                pltpu.async_copy(rows_v.at[cur], acc.at[dst_v.at[bb, c]], ssem, add=True)
                return carry2

            lax.fori_loop(0, GIB, step, 0)
            return carry

        lax.fori_loop(0, GNB, block, 0)
        pltpu.make_async_copy(
            rows_v.at[(GNB * GIB - 1) % NR], acc.at[dst_v.at[(GNB - 1) % 2, GIB - 1]], ssem
        ).wait()
        plsc.subcore_barrier()
        pltpu.sync_copy(acc.at[pl.ds(base, RPT)], out_hbm.at[g, pl.ds(base, RPT)])

    return gs_kernel


_deg_call = _make_deg_kernel()
_gs64 = _make_gs_kernel(D_HID, 8)
_gs128 = _make_gs_kernel(D_OUT, 4)


def _tc_pre(x_ref, deg_ref, w_ref, y_ref):
    dinv = lax.rsqrt(deg_ref[0][:, 0:1] + 1.0)
    y_ref[0] = dinv * jnp.dot(x_ref[0], w_ref[0], preferred_element_type=jnp.float32)


def _tc_mid(s_ref, deg_ref, b_ref, w_ref, y2_ref):
    dinv = lax.rsqrt(deg_ref[0][:, 0:1] + 1.0)
    o = dinv * s_ref[0] + b_ref[0, 0]
    h = jnp.where(o > 0, o, jnp.exp(o) - 1.0)
    y2_ref[0] = dinv * jnp.dot(h, w_ref[0], preferred_element_type=jnp.float32)


def _tc_post(s_ref, deg_ref, b_ref, h_ref):
    dinv = lax.rsqrt(deg_ref[0][:, 0:1] + 1.0)
    o = dinv * s_ref[0] + b_ref[0, 0]
    h_ref[0] = jnp.where(o > 0, o, jnp.exp(o) - 1.0)


def kernel(x0, edge_index0, x1, edge_index1, W1_0, b1_0, W2_0, b2_0, W1_1, b1_1, W2_1, b2_1):
    f32 = jnp.float32
    xs = jnp.stack([
        jnp.pad(x0, ((0, NPAD - N), (0, 0))),
        jnp.pad(x1, ((0, NPAD - N), (0, 0))),
    ])
    src_flat = jnp.stack([
        edge_index0[0],
        edge_index1[0] + NPAD,
    ])
    dst_flat = jnp.stack([edge_index0[1], edge_index1[1]])
    src_g = src_flat.reshape(2, NT, GNB, GIB, GCH)
    dst_g = dst_flat.reshape(2, NT, GNB, GIB, GCH)
    dst_d = dst_flat.reshape(2, NT, DNB, DIB, DCH)
    ones = jnp.ones((DCH, DEGW), f32)
    zeros = jnp.zeros((RPT, DEGW), f32)

    deg16 = _deg_call(dst_d, ones, zeros)

    w1 = jnp.stack([W1_0, W1_1])
    w2 = jnp.stack([W2_0, W2_1])
    b1 = jnp.stack([b1_0, b1_1]).reshape(2, 1, D_HID)
    b2 = jnp.stack([b2_0, b2_1]).reshape(2, 1, D_OUT)

    y1 = pl.pallas_call(
        _tc_pre,
        grid=(2, GRID_R),
        in_specs=[
            pl.BlockSpec((1, RB, D_IN), lambda g, i: (g, i, 0)),
            pl.BlockSpec((1, RB, DEGW), lambda g, i: (g, i, 0)),
            pl.BlockSpec((1, D_IN, D_HID), lambda g, i: (g, 0, 0)),
        ],
        out_specs=pl.BlockSpec((1, RB, D_HID), lambda g, i: (g, i, 0)),
        out_shape=jax.ShapeDtypeStruct((2, NPAD, D_HID), f32),
    )(xs, deg16, w1)

    s1 = _gs64(src_g, dst_g, y1.reshape(2 * NPAD, D_HID))

    y2 = pl.pallas_call(
        _tc_mid,
        grid=(2, GRID_R),
        in_specs=[
            pl.BlockSpec((1, RB, D_HID), lambda g, i: (g, i, 0)),
            pl.BlockSpec((1, RB, DEGW), lambda g, i: (g, i, 0)),
            pl.BlockSpec((1, 1, D_HID), lambda g, i: (g, 0, 0)),
            pl.BlockSpec((1, D_HID, D_OUT), lambda g, i: (g, 0, 0)),
        ],
        out_specs=pl.BlockSpec((1, RB, D_OUT), lambda g, i: (g, i, 0)),
        out_shape=jax.ShapeDtypeStruct((2, NPAD, D_OUT), f32),
    )(s1, deg16, b1, w2)

    s2 = _gs128(src_g, dst_g, y2.reshape(2 * NPAD, D_OUT))

    h2 = pl.pallas_call(
        _tc_post,
        grid=(2, GRID_R),
        in_specs=[
            pl.BlockSpec((1, RB, D_OUT), lambda g, i: (g, i, 0)),
            pl.BlockSpec((1, RB, DEGW), lambda g, i: (g, i, 0)),
            pl.BlockSpec((1, 1, D_OUT), lambda g, i: (g, 0, 0)),
        ],
        out_specs=pl.BlockSpec((1, RB, D_OUT), lambda g, i: (g, i, 0)),
        out_shape=jax.ShapeDtypeStruct((2, NPAD, D_OUT), f32),
    )(s2, deg16, b2)

    return h2[:, :N, :].reshape(2 * N, D_OUT)

# --- scband reference (transcript-rebuilt; emitter-appended) ---
"""Pipeline reference for scband-multi-graph-gcn-11510512354046 (READ-ONLY COPY).

The authoritative reference and input builder live on the scoring server;
editing this copy changes nothing except your own understanding.
"""

import jax, jax.numpy as jnp
import numpy as np

N = 10000
E = 320000
D_IN = 128
D_HID = 64
D_OUT = 128


def _glorot(key, shape):
    fan_in, fan_out = shape
    lim = float(np.sqrt(6.0 / (fan_in + fan_out)))
    return jax.random.uniform(key, shape, dtype=jnp.float32, minval=-lim, maxval=lim)


def gcn_conv(x, edge_index, W, b):
    # Faithful PyG GCNConv: add self-loops, symmetric deg^{-1/2} normalization,
    # gather source features, scatter-add into destination nodes, add bias.
    n = x.shape[0]
    loop = jnp.arange(n, dtype=edge_index.dtype)
    src = jnp.concatenate([edge_index[0], loop])
    dst = jnp.concatenate([edge_index[1], loop])
    deg = jnp.zeros((n,), dtype=x.dtype).at[dst].add(1.0)
    dinv = jnp.where(deg > 0, deg ** -0.5, 0.0)
    norm = dinv[src] * dinv[dst]
    xw = x @ W
    msg = xw[src] * norm[:, None]
    out = jnp.zeros((n, W.shape[1]), dtype=x.dtype).at[dst].add(msg)
    return out + b


def setup_inputs(seed: int = 0) -> dict:
    key = jax.random.key(seed)
    ks = jax.random.split(key, 12)
    inp = {}
    inp["x0"] = jax.random.normal(ks[0], (N, D_IN), dtype=jnp.float32)
    inp["edge_index0"] = jax.random.randint(ks[1], (2, E), 0, N, dtype=jnp.int32)
    inp["x1"] = jax.random.normal(ks[2], (N, D_IN), dtype=jnp.float32)
    inp["edge_index1"] = jax.random.randint(ks[3], (2, E), 0, N, dtype=jnp.int32)
    # learned parameters: 2 GCN layers per graph, 2 graphs
    inp["W1_0"] = _glorot(ks[4], (D_IN, D_HID))
    inp["b1_0"] = jnp.zeros((D_HID,), dtype=jnp.float32)
    inp["W2_0"] = _glorot(ks[5], (D_HID, D_OUT))
    inp["b2_0"] = jnp.zeros((D_OUT,), dtype=jnp.float32)
    inp["W1_1"] = _glorot(ks[6], (D_IN, D_HID))
    inp["b1_1"] = jnp.zeros((D_HID,), dtype=jnp.float32)
    inp["W2_1"] = _glorot(ks[7], (D_HID, D_OUT))
    inp["b2_1"] = jnp.zeros((D_OUT,), dtype=jnp.float32)
    return inp


def reference(x0, edge_index0, x1, edge_index1, W1_0, b1_0, W2_0, b2_0, W1_1, b1_1, W2_1, b2_1):
    h0 = jax.nn.elu(gcn_conv(x0, edge_index0, W1_0, b1_0))
    h0 = jax.nn.elu(gcn_conv(h0, edge_index0, W2_0, b2_0))
    h1 = jax.nn.elu(gcn_conv(x1, edge_index1, W1_1, b1_1))
    h1 = jax.nn.elu(gcn_conv(h1, edge_index1, W2_1, b2_1))
    return jnp.concatenate([h0, h1], axis=0)

if __name__ == "__main__":
    import jax
    _d = setup_inputs()
    print(jax.jit(kernel)(*tuple(_d.values())))

</pallas_src>

<mosaic_0001>
#map = affine_map<(d0, d1) -> (0, 0, 0, 0, 0)>
#map1 = affine_map<(d0, d1) -> (0, 0)>
#map2 = affine_map<(d0, d1) -> (0, 0, 0)>
module attributes {stable_mosaic.version = 14 : i64} {
  func.func @deg_kernel(%arg0: i32, %arg1: i32, %arg2: memref<2x16x8x20x125xi32, #tpu.memory_space<hbm>>, %arg3: memref<125x16xf32, #tpu.memory_space<hbm>>, %arg4: memref<640x16xf32, #tpu.memory_space<hbm>>, %arg5: memref<2x10240x16xf32, #tpu.memory_space<hbm>>, %arg6: memref<2x20x125xi32, #tpu.memory_space<vmem>>, %arg7: memref<125x16xf32, #tpu.memory_space<vmem>>, %arg8: memref<10240x16xf32, #tpu.memory_space<vmem_shared>>, %arg9: memref<!tpu.dma_semaphore, #tpu.memory_space<semaphore_mem>>, %arg10: memref<!tpu.dma_semaphore, #tpu.memory_space<semaphore_mem>>) attributes {dimension_semantics = [#tpu.dimension_semantics<core_parallel>, #tpu.dimension_semantics<subcore_parallel>], iteration_bounds = array<i64: 2, 16>, scalar_prefetch = 0 : i64, scratch_operands = 5 : i64, tpu.core_type = #tpu.core_type<sc_vector_subcore>, window_params = [{transform_indices = #map}, {transform_indices = #map1}, {transform_indices = #map1}, {transform_indices = #map2}]} {
    %mul3A = arith.constant 640 : i32
    %mul3A_0 = arith.muli %arg1, %mul3A : i32
    %dma_start3A = arith.constant 0 : i32
    %dma_start3A_1 = arith.constant 0 : i32
    %dma_start3A_2 = arith.constant 0 : i32
    %dma_start3A_3 = arith.constant 0 : i32
    %dma_start3A_4 = tpu.memref_slice %arg6[%dma_start3A_1, %dma_start3A_2, %dma_start3A_3] : memref<2x20x125xi32, #tpu.memory_space<vmem>> -> memref<1x20x125xi32, #tpu.memory_space<vmem>>
    %dma_start3A_5 = tpu.memref_squeeze %dma_start3A_4 : memref<1x20x125xi32, #tpu.memory_space<vmem>> -> memref<20x125xi32, #tpu.memory_space<vmem>>
    %dma_start3A_6 = arith.constant 0 : i32
    %dma_start3A_7 = arith.constant 0 : i32
    %dma_start3A_8 = tpu.memref_slice %arg2[%arg0, %arg1, %dma_start3A, %dma_start3A_6, %dma_start3A_7] : memref<2x16x8x20x125xi32, #tpu.memory_space<hbm>> -> memref<1x1x1x20x125xi32, #tpu.memory_space<hbm>>
    %dma_start3A_9 = tpu.memref_squeeze %dma_start3A_8 : memref<1x1x1x20x125xi32, #tpu.memory_space<hbm>> -> memref<20x125xi32, #tpu.memory_space<hbm>>
    %dma_start3A_10 = arith.constant 0 : i32
    %dma_start3A_11 = arith.constant 0 : i32
    %dma_start3A_12 = tpu.memref_slice %arg6[%dma_start3A_1, %dma_start3A_10, %dma_start3A_11] : memref<2x20x125xi32, #tpu.memory_space<vmem>> -> memref<1x20x125xi32, #tpu.memory_space<vmem>>
    %dma_start3A_13 = tpu.memref_squeeze %dma_start3A_12 : memref<1x20x125xi32, #tpu.memory_space<vmem>> -> memref<20x125xi32, #tpu.memory_space<vmem>>
    %dma_start3A_14 = arith.constant 0 : i32
    %dma_start3A_15 = arith.constant 0 : i32
    %dma_start3A_16 = tpu.memref_slice %arg2[%arg0, %arg1, %dma_start3A, %dma_start3A_14, %dma_start3A_15] : memref<2x16x8x20x125xi32, #tpu.memory_space<hbm>> -> memref<1x1x1x20x125xi32, #tpu.memory_space<hbm>>
    %dma_start3A_17 = tpu.memref_squeeze %dma_start3A_16 : memref<1x1x1x20x125xi32, #tpu.memory_space<hbm>> -> memref<20x125xi32, #tpu.memory_space<hbm>>
    tpu.enqueue_dma source(%dma_start3A_17 : memref<20x125xi32, #tpu.memory_space<hbm>>) target(%dma_start3A_13 : memref<20x125xi32, #tpu.memory_space<vmem>>) target_semaphore(%arg9 : memref<!tpu.dma_semaphore, #tpu.memory_space<semaphore_mem>>)
    "tpu.region"() ({
      %run_scoped3A = tpu.sem_alloc : memref<!tpu.dma_semaphore, #tpu.memory_space<semaphore_mem>>
      tpu.enqueue_dma source(%arg3 : memref<125x16xf32, #tpu.memory_space<hbm>>) target(%arg7 : memref<125x16xf32, #tpu.memory_space<vmem>>) target_semaphore(%run_scoped3A : memref<!tpu.dma_semaphore, #tpu.memory_space<semaphore_mem>>)
      tpu.wait_dma2 semaphore(%run_scoped3A : memref<!tpu.dma_semaphore, #tpu.memory_space<semaphore_mem>>) src(%arg3 : memref<125x16xf32, #tpu.memory_space<hbm>>) dst(%arg7 : memref<125x16xf32, #tpu.memory_space<vmem>>)
      tpu.yield
    }) : () -> ()
    "tpu.region"() ({
      %run_scoped3A = tpu.sem_alloc : memref<!tpu.dma_semaphore, #tpu.memory_space<semaphore_mem>>
      %dma_start3A_41 = arith.constant 0 : i32
      %dma_start3A_42 = tpu.memref_slice %arg8[%mul3A_0, %dma_start3A_41] : memref<10240x16xf32, #tpu.memory_space<vmem_shared>> -> memref<640x16xf32, #tpu.memory_space<vmem_shared>>
      tpu.enqueue_dma source(%arg4 : memref<640x16xf32, #tpu.memory_space<hbm>>) target(%dma_start3A_42 : memref<640x16xf32, #tpu.memory_space<vmem_shared>>) target_semaphore(%run_scoped3A : memref<!tpu.dma_semaphore, #tpu.memory_space<semaphore_mem>>)
      %dma_wait3A_43 = arith.constant 0 : i32
      %dma_wait3A_44 = tpu.memref_slice %arg8[%mul3A_0, %dma_wait3A_43] : memref<10240x16xf32, #tpu.memory_space<vmem_shared>> -> memref<640x16xf32, #tpu.memory_space<vmem_shared>>
      tpu.wait_dma2 semaphore(%run_scoped3A : memref<!tpu.dma_semaphore, #tpu.memory_space<semaphore_mem>>) src(%arg4 : memref<640x16xf32, #tpu.memory_space<hbm>>) dst(%dma_wait3A_44 : memref<640x16xf32, #tpu.memory_space<vmem_shared>>)
      tpu.yield
    }) : () -> ()
    %dma_wait3A = arith.constant 0 : i32
    %dma_wait3A_18 = arith.constant 0 : i32
    %dma_wait3A_19 = arith.constant 0 : i32
    %dma_wait3A_20 = arith.constant 0 : i32
    %dma_wait3A_21 = tpu.memref_slice %arg6[%dma_wait3A_18, %dma_wait3A_19, %dma_wait3A_20] : memref<2x20x125xi32, #tpu.memory_space<vmem>> -> memref<1x20x125xi32, #tpu.memory_space<vmem>>
    %dma_wait3A_22 = tpu.memref_squeeze %dma_wait3A_21 : memref<1x20x125xi32, #tpu.memory_space<vmem>> -> memref<20x125xi32, #tpu.memory_space<vmem>>
    %dma_wait3A_23 = arith.constant 0 : i32
    %dma_wait3A_24 = arith.constant 0 : i32
    %dma_wait3A_25 = tpu.memref_slice %arg2[%arg0, %arg1, %dma_wait3A, %dma_wait3A_23, %dma_wait3A_24] : memref<2x16x8x20x125xi32, #tpu.memory_space<hbm>> -> memref<1x1x1x20x125xi32, #tpu.memory_space<hbm>>
    %dma_wait3A_26 = tpu.memref_squeeze %dma_wait3A_25 : memref<1x1x1x20x125xi32, #tpu.memory_space<hbm>> -> memref<20x125xi32, #tpu.memory_space<hbm>>
    %dma_wait3A_27 = arith.constant 0 : i32
    %dma_wait3A_28 = arith.constant 0 : i32
    %dma_wait3A_29 = tpu.memref_slice %arg6[%dma_wait3A_18, %dma_wait3A_27, %dma_wait3A_28] : memref<2x20x125xi32, #tpu.memory_space<vmem>> -> memref<1x20x125xi32, #tpu.memory_space<vmem>>
    %dma_wait3A_30 = tpu.memref_squeeze %dma_wait3A_29 : memref<1x20x125xi32, #tpu.memory_space<vmem>> -> memref<20x125xi32, #tpu.memory_space<vmem>>
    %dma_wait3A_31 = arith.constant 0 : i32
    %dma_wait3A_32 = arith.constant 0 : i32
    %dma_wait3A_33 = tpu.memref_slice %arg2[%arg0, %arg1, %dma_wait3A, %dma_wait3A_31, %dma_wait3A_32] : memref<2x16x8x20x125xi32, #tpu.memory_space<hbm>> -> memref<1x1x1x20x125xi32, #tpu.memory_space<hbm>>
    %dma_wait3A_34 = tpu.memref_squeeze %dma_wait3A_33 : memref<1x1x1x20x125xi32, #tpu.memory_space<hbm>> -> memref<20x125xi32, #tpu.memory_space<hbm>>
    tpu.wait_dma2 semaphore(%arg9 : memref<!tpu.dma_semaphore, #tpu.memory_space<semaphore_mem>>) src(%dma_wait3A_34 : memref<20x125xi32, #tpu.memory_space<hbm>>) dst(%dma_wait3A_30 : memref<20x125xi32, #tpu.memory_space<vmem>>)
    %barrier3A = arith.constant 0 : index
    tpu.barrier barrier_id(%barrier3A)
    %scan3A = arith.constant 0 : i32
    %scan3A_35 = arith.constant 0 : i32
    %scan3A_36 = arith.constant 8 : i32
    %scan3A_37 = arith.addi %scan3A_35, %scan3A_36 : i32
    %scan3A_38 = arith.constant 1 : i32
    scf.for %scan3A_41 = %scan3A_35 to %scan3A_37 step %scan3A_38  : i32 {
      %jit3A = arith.constant 2 : i32
      %eq3A = arith.constant 0 : i32
      %eq3A_42 = arith.cmpi eq, %jit3A, %eq3A : i32
      %jit3A_43 = arith.constant 1 : i32
      %select_n3A = arith.select %eq3A_42, %jit3A_43, %jit3A : i32
      %rem3A = arith.remsi %scan3A_41, %select_n3A : i32
      %ne3A = arith.constant 0 : i32
      %ne3A_44 = arith.cmpi ne, %rem3A, %ne3A : i32
      %lt3A = arith.constant 0 : i32
      %lt3A_45 = arith.cmpi slt, %rem3A, %lt3A : i32
      %lt3A_46 = arith.constant 0 : i32
      %lt3A_47 = arith.cmpi slt, %select_n3A, %lt3A_46 : i32
      %ne3A_48 = arith.xori %lt3A_45, %lt3A_47 : i1
      %and3A = arith.andi %ne3A_48, %ne3A_44 : i1
      %add3A = arith.addi %rem3A, %select_n3A : i32
      %select_n3A_49 = arith.select %and3A, %add3A, %rem3A : i32
      %add3A_50 = arith.constant 1 : i32
      %add3A_51 = arith.addi %scan3A_41, %add3A_50 : i32
      %jit3A_52 = arith.constant 2 : i32
      %eq3A_53 = arith.constant 0 : i32
      %eq3A_54 = arith.cmpi eq, %jit3A_52, %eq3A_53 : i32
      %jit3A_55 = arith.constant 1 : i32
      %select_n3A_56 = arith.select %eq3A_54, %jit3A_55, %jit3A_52 : i32
      %rem3A_57 = arith.remsi %add3A_51, %select_n3A_56 : i32
      %ne3A_58 = arith.constant 0 : i32
      %ne3A_59 = arith.cmpi ne, %rem3A_57, %ne3A_58 : i32
      %lt3A_60 = arith.constant 0 : i32
      %lt3A_61 = arith.cmpi slt, %rem3A_57, %lt3A_60 : i32
      %lt3A_62 = arith.constant 0 : i32
      %lt3A_63 = arith.cmpi slt, %select_n3A_56, %lt3A_62 : i32
      %ne3A_64 = arith.xori %lt3A_61, %lt3A_63 : i1
      %and3A_65 = arith.andi %ne3A_64, %ne3A_59 : i1
      %add3A_66 = arith.addi %rem3A_57, %select_n3A_56 : i32
      %select_n3A_67 = arith.select %and3A_65, %add3A_66, %rem3A_57 : i32
      %add3A_68 = arith.constant 1 : i32
      %add3A_69 = arith.addi %scan3A_41, %add3A_68 : i32
      %lt3A_70 = arith.constant 8 : i32
      %lt3A_71 = arith.cmpi slt, %add3A_69, %lt3A_70 : i32
      %convert_element_type3A = arith.extui %lt3A_71 : i1 to i32
      %cond3A = arith.constant 0 : i32
      %cond3A_72 = arith.cmpi ne, %convert_element_type3A, %cond3A : i32
      scf.if %cond3A_72 {
        %add3A_92 = arith.constant 1 : i32
        %add3A_93 = arith.addi %scan3A_41, %add3A_92 : i32
        %dma_start3A_94 = arith.constant 0 : i32
        %dma_start3A_95 = arith.constant 0 : i32
        %dma_start3A_96 = tpu.memref_slice %arg6[%select_n3A_67, %dma_start3A_94, %dma_start3A_95] : memref<2x20x125xi32, #tpu.memory_space<vmem>> -> memref<1x20x125xi32, #tpu.memory_space<vmem>>
        %dma_start3A_97 = tpu.memref_squeeze %dma_start3A_96 : memref<1x20x125xi32, #tpu.memory_space<vmem>> -> memref<20x125xi32, #tpu.memory_space<vmem>>
        %dma_start3A_98 = arith.constant 0 : i32
        %dma_start3A_99 = arith.constant 0 : i32
        %dma_start3A_100 = tpu.memref_slice %arg2[%arg0, %arg1, %add3A_93, %dma_start3A_98, %dma_start3A_99] : memref<2x16x8x20x125xi32, #tpu.memory_space<hbm>> -> memref<1x1x1x20x125xi32, #tpu.memory_space<hbm>>
        %dma_start3A_101 = tpu.memref_squeeze %dma_start3A_100 : memref<1x1x1x20x125xi32, #tpu.memory_space<hbm>> -> memref<20x125xi32, #tpu.memory_space<hbm>>
        %dma_start3A_102 = arith.constant 0 : i32
        %dma_start3A_103 = arith.constant 0 : i32
        %dma_start3A_104 = tpu.memref_slice %arg6[%select_n3A_67, %dma_start3A_102, %dma_start3A_103] : memref<2x20x125xi32, #tpu.memory_space<vmem>> -> memref<1x20x125xi32, #tpu.memory_space<vmem>>
        %dma_start3A_105 = tpu.memref_squeeze %dma_start3A_104 : memref<1x20x125xi32, #tpu.memory_space<vmem>> -> memref<20x125xi32, #tpu.memory_space<vmem>>
        %dma_start3A_106 = arith.constant 0 : i32
        %dma_start3A_107 = arith.constant 0 : i32
        %dma_start3A_108 = tpu.memref_slice %arg2[%arg0, %arg1, %add3A_93, %dma_start3A_106, %dma_start3A_107] : memref<2x16x8x20x125xi32, #tpu.memory_space<hbm>> -> memref<1x1x1x20x125xi32, #tpu.memory_space<hbm>>
        %dma_start3A_109 = tpu.memref_squeeze %dma_start3A_108 : memref<1x1x1x20x125xi32, #tpu.memory_space<hbm>> -> memref<20x125xi32, #tpu.memory_space<hbm>>
        tpu.enqueue_dma source(%dma_start3A_109 : memref<20x125xi32, #tpu.memory_space<hbm>>) target(%dma_start3A_105 : memref<20x125xi32, #tpu.memory_space<vmem>>) target_semaphore(%arg9 : memref<!tpu.dma_semaphore, #tpu.memory_space<semaphore_mem>>)
      } else {
      }
      %scan3A_73 = arith.constant 0 : i32
      %scan3A_74 = arith.constant 0 : i32
      %scan3A_75 = arith.constant 20 : i32
      %scan3A_76 = arith.addi %scan3A_74, %scan3A_75 : i32
      %scan3A_77 = arith.constant 1 : i32
      scf.for %scan3A_92 = %scan3A_74 to %scan3A_76 step %scan3A_77  : i32 {
        %dma_start3A_93 = arith.constant 0 : i32
        %dma_start3A_94 = tpu.memref_slice %arg6[%select_n3A_49, %scan3A_92, %dma_start3A_93] : memref<2x20x125xi32, #tpu.memory_space<vmem>> -> memref<1x1x125xi32, #tpu.memory_space<vmem>>
        %dma_start3A_95 = tpu.memref_squeeze %dma_start3A_94 : memref<1x1x125xi32, #tpu.memory_space<vmem>> -> memref<125xi32, #tpu.memory_space<vmem>>
        %dma_start3A_96 = arith.constant 0 : i32
        %dma_start3A_97 = arith.constant 0 : i32
        %dma_start3A_98 = tpu.memref_slice %arg8[%dma_start3A_96, %dma_start3A_97] : memref<10240x16xf32, #tpu.memory_space<vmem_shared>> -> memref<10240x16xf32, #tpu.memory_space<vmem_shared>>
        tpu.enqueue_indirect_dma source(%arg7 : memref<125x16xf32, #tpu.memory_space<vmem>>) target(%dma_start3A_98 : memref<10240x16xf32, #tpu.memory_space<vmem_shared>>) offsets(%dma_start3A_95 : memref<125xi32, #tpu.memory_space<vmem>>) semaphore(%arg10 : memref<!tpu.dma_semaphore, #tpu.memory_space<semaphore_mem>>) {add = true}
      }
      %scan3A_78 = arith.constant 20 : i32
      %scan3A_79 = arith.constant 0 : i32
      %scan3A_80 = arith.constant 0 : i32
      %scan3A_81 = arith.constant 20 : i32
      %scan3A_82 = arith.addi %scan3A_80, %scan3A_81 : i32
      %scan3A_83 = arith.constant 1 : i32
      scf.for %scan3A_92 = %scan3A_80 to %scan3A_82 step %scan3A_83  : i32 {
        %dma_wait3A_93 = arith.constant 0 : i32
        %dma_wait3A_94 = arith.constant 0 : i32
        %dma_wait3A_95 = tpu.memref_slice %arg6[%select_n3A_49, %dma_wait3A_93, %dma_wait3A_94] : memref<2x20x125xi32, #tpu.memory_space<vmem>> -> memref<1x1x125xi32, #tpu.memory_space<vmem>>
        %dma_wait3A_96 = tpu.memref_squeeze %dma_wait3A_95 : memref<1x1x125xi32, #tpu.memory_space<vmem>> -> memref<125xi32, #tpu.memory_space<vmem>>
        %dma_wait3A_97 = arith.constant 0 : i32
        %dma_wait3A_98 = arith.constant 0 : i32
        %dma_wait3A_99 = tpu.memref_slice %arg8[%dma_wait3A_97, %dma_wait3A_98] : memref<10240x16xf32, #tpu.memory_space<vmem_shared>> -> memref<10240x16xf32, #tpu.memory_space<vmem_shared>>
        tpu.wait_indirect_dma semaphore(%arg10 : memref<!tpu.dma_semaphore, #tpu.memory_space<semaphore_mem>>) src(%arg7 : memref<125x16xf32, #tpu.memory_space<vmem>>) dst(%dma_wait3A_99 : memref<10240x16xf32, #tpu.memory_space<vmem_shared>>)
      }
      %scan3A_84 = arith.constant 20 : i32
      %add3A_85 = arith.constant 1 : i32
      %add3A_86 = arith.addi %scan3A_41, %add3A_85 : i32
      %lt3A_87 = arith.constant 8 : i32
      %lt3A_88 = arith.cmpi slt, %add3A_86, %lt3A_87 : i32
      %convert_element_type3A_89 = arith.extui %lt3A_88 : i1 to i32
      %cond3A_90 = arith.constant 0 : i32
      %cond3A_91 = arith.cmpi ne, %convert_element_type3A_89, %cond3A_90 : i32
      scf.if %cond3A_91 {
        %add3A_92 = arith.constant 1 : i32
        %add3A_93 = arith.addi %scan3A_41, %add3A_92 : i32
        %dma_wait3A_94 = arith.constant 0 : i32
        %dma_wait3A_95 = arith.constant 0 : i32
        %dma_wait3A_96 = tpu.memref_slice %arg6[%select_n3A_67, %dma_wait3A_94, %dma_wait3A_95] : memref<2x20x125xi32, #tpu.memory_space<vmem>> -> memref<1x20x125xi32, #tpu.memory_space<vmem>>
        %dma_wait3A_97 = tpu.memref_squeeze %dma_wait3A_96 : memref<1x20x125xi32, #tpu.memory_space<vmem>> -> memref<20x125xi32, #tpu.memory_space<vmem>>
        %dma_wait3A_98 = arith.constant 0 : i32
        %dma_wait3A_99 = arith.constant 0 : i32
        %dma_wait3A_100 = tpu.memref_slice %arg2[%arg0, %arg1, %add3A_93, %dma_wait3A_98, %dma_wait3A_99] : memref<2x16x8x20x125xi32, #tpu.memory_space<hbm>> -> memref<1x1x1x20x125xi32, #tpu.memory_space<hbm>>
        %dma_wait3A_101 = tpu.memref_squeeze %dma_wait3A_100 : memref<1x1x1x20x125xi32, #tpu.memory_space<hbm>> -> memref<20x125xi32, #tpu.memory_space<hbm>>
        %dma_wait3A_102 = arith.constant 0 : i32
        %dma_wait3A_103 = arith.constant 0 : i32
        %dma_wait3A_104 = tpu.memref_slice %arg6[%select_n3A_67, %dma_wait3A_102, %dma_wait3A_103] : memref<2x20x125xi32, #tpu.memory_space<vmem>> -> memref<1x20x125xi32, #tpu.memory_space<vmem>>
        %dma_wait3A_105 = tpu.memref_squeeze %dma_wait3A_104 : memref<1x20x125xi32, #tpu.memory_space<vmem>> -> memref<20x125xi32, #tpu.memory_space<vmem>>
        %dma_wait3A_106 = arith.constant 0 : i32
        %dma_wait3A_107 = arith.constant 0 : i32
        %dma_wait3A_108 = tpu.memref_slice %arg2[%arg0, %arg1, %add3A_93, %dma_wait3A_106, %dma_wait3A_107] : memref<2x16x8x20x125xi32, #tpu.memory_space<hbm>> -> memref<1x1x1x20x125xi32, #tpu.memory_space<hbm>>
        %dma_wait3A_109 = tpu.memref_squeeze %dma_wait3A_108 : memref<1x1x1x20x125xi32, #tpu.memory_space<hbm>> -> memref<20x125xi32, #tpu.memory_space<hbm>>
        tpu.wait_dma2 semaphore(%arg9 : memref<!tpu.dma_semaphore, #tpu.memory_space<semaphore_mem>>) src(%dma_wait3A_109 : memref<20x125xi32, #tpu.memory_space<hbm>>) dst(%dma_wait3A_105 : memref<20x125xi32, #tpu.memory_space<vmem>>)
      } else {
      }
    }
    %scan3A_39 = arith.constant 8 : i32
    %barrier3A_40 = arith.constant 0 : index
    tpu.barrier barrier_id(%barrier3A_40)
    "tpu.region"() ({
      %run_scoped3A = tpu.sem_alloc : memref<!tpu.dma_semaphore, #tpu.memory_space<semaphore_mem>>
      %dma_start3A_41 = arith.constant 0 : i32
      %dma_start3A_42 = tpu.memref_slice %arg5[%arg0, %mul3A_0, %dma_start3A_41] : memref<2x10240x16xf32, #tpu.memory_space<hbm>> -> memref<1x640x16xf32, #tpu.memory_space<hbm>>
      %dma_start3A_43 = tpu.memref_squeeze %dma_start3A_42 : memref<1x640x16xf32, #tpu.memory_space<hbm>> -> memref<640x16xf32, #tpu.memory_space<hbm>>
      %dma_start3A_44 = arith.constant 0 : i32
      %dma_start3A_45 = tpu.memref_slice %arg8[%mul3A_0, %dma_start3A_44] : memref<10240x16xf32, #tpu.memory_space<vmem_shared>> -> memref<640x16xf32, #tpu.memory_space<vmem_shared>>
      tpu.enqueue_dma source(%dma_start3A_45 : memref<640x16xf32, #tpu.memory_space<vmem_shared>>) target(%dma_start3A_43 : memref<640x16xf32, #tpu.memory_space<hbm>>) target_semaphore(%run_scoped3A : memref<!tpu.dma_semaphore, #tpu.memory_space<semaphore_mem>>)
      %dma_wait3A_46 = arith.constant 0 : i32
      %dma_wait3A_47 = tpu.memref_slice %arg5[%arg0, %mul3A_0, %dma_wait3A_46] : memref<2x10240x16xf32, #tpu.memory_space<hbm>> -> memref<1x640x16xf32, #tpu.memory_space<hbm>>
      %dma_wait3A_48 = tpu.memref_squeeze %dma_wait3A_47 : memref<1x640x16xf32, #tpu.memory_space<hbm>> -> memref<640x16xf32, #tpu.memory_space<hbm>>
      %dma_wait3A_49 = arith.constant 0 : i32
      %dma_wait3A_50 = tpu.memref_slice %arg8[%mul3A_0, %dma_wait3A_49] : memref<10240x16xf32, #tpu.memory_space<vmem_shared>> -> memref<640x16xf32, #tpu.memory_space<vmem_shared>>
      tpu.wait_dma2 semaphore(%run_scoped3A : memref<!tpu.dma_semaphore, #tpu.memory_space<semaphore_mem>>) src(%dma_wait3A_50 : memref<640x16xf32, #tpu.memory_space<vmem_shared>>) dst(%dma_wait3A_48 : memref<640x16xf32, #tpu.memory_space<hbm>>)
      tpu.yield
    }) : () -> ()
    return
  }
}

#map = affine_map<(d0, d1) -> (0, 0, 0, 0, 0)>
#map1 = affine_map<(d0, d1) -> (0, 0)>
#map2 = affine_map<(d0, d1) -> (0, 0, 0)>
module attributes {stable_mosaic.version = 14 : i64} {
  func.func @gs_kernel(%arg0: i32, %arg1: i32, %arg2: memref<2x16x10x25x80xi32, #tpu.memory_space<hbm>>, %arg3: memref<2x16x10x25x80xi32, #tpu.memory_space<hbm>>, %arg4: memref<20480x128xf32, #tpu.memory_space<hbm>>, %arg5: memref<2x10240x128xf32, #tpu.memory_space<hbm>>, %arg6: memref<2x25x80xi32, #tpu.memory_space<vmem>>, %arg7: memref<2x25x80xi32, #tpu.memory_space<vmem>>, %arg8: memref<4x80x128xf32, #tpu.memory_space<vmem>>, %arg9: memref<10240x128xf32, #tpu.memory_space<vmem_shared>>, %arg10: memref<!tpu.dma_semaphore, #tpu.memory_space<semaphore_mem>>, %arg11: memref<!tpu.dma_semaphore, #tpu.memory_space<semaphore_mem>>, %arg12: memref<!tpu.dma_semaphore, #tpu.memory_space<semaphore_mem>>) attributes {dimension_semantics = [#tpu.dimension_semantics<core_parallel>, #tpu.dimension_semantics<subcore_parallel>], iteration_bounds = array<i64: 2, 16>, scalar_prefetch = 0 : i64, scratch_operands = 7 : i64, tpu.core_type = #tpu.core_type<sc_vector_subcore>, window_params = [{transform_indices = #map}, {transform_indices = #map}, {transform_indices = #map1}, {transform_indices = #map2}]} {
    %mul3A = arith.constant 640 : i32
    %mul3A_0 = arith.muli %arg1, %mul3A : i32
    %dma_start3A = arith.constant 0 : i32
    %dma_start3A_1 = arith.constant 0 : i32
    %dma_start3A_2 = arith.constant 0 : i32
    %dma_start3A_3 = arith.constant 0 : i32
    %dma_start3A_4 = tpu.memref_slice %arg6[%dma_start3A_1, %dma_start3A_2, %dma_start3A_3] : memref<2x25x80xi32, #tpu.memory_space<vmem>> -> memref<1x25x80xi32, #tpu.memory_space<vmem>>
    %dma_start3A_5 = tpu.memref_squeeze %dma_start3A_4 : memref<1x25x80xi32, #tpu.memory_space<vmem>> -> memref<25x80xi32, #tpu.memory_space<vmem>>
    %dma_start3A_6 = arith.constant 0 : i32
    %dma_start3A_7 = arith.constant 0 : i32
    %dma_start3A_8 = tpu.memref_slice %arg2[%arg0, %arg1, %dma_start3A, %dma_start3A_6, %dma_start3A_7] : memref<2x16x10x25x80xi32, #tpu.memory_space<hbm>> -> memref<1x1x1x25x80xi32, #tpu.memory_space<hbm>>
    %dma_start3A_9 = tpu.memref_squeeze %dma_start3A_8 : memref<1x1x1x25x80xi32, #tpu.memory_space<hbm>> -> memref<25x80xi32, #tpu.memory_space<hbm>>
    %dma_start3A_10 = arith.constant 0 : i32
    %dma_start3A_11 = arith.constant 0 : i32
    %dma_start3A_12 = tpu.memref_slice %arg6[%dma_start3A_1, %dma_start3A_10, %dma_start3A_11] : memref<2x25x80xi32, #tpu.memory_space<vmem>> -> memref<1x25x80xi32, #tpu.memory_space<vmem>>
    %dma_start3A_13 = tpu.memref_squeeze %dma_start3A_12 : memref<1x25x80xi32, #tpu.memory_space<vmem>> -> memref<25x80xi32, #tpu.memory_space<vmem>>
    %dma_start3A_14 = arith.constant 0 : i32
    %dma_start3A_15 = arith.constant 0 : i32
    %dma_start3A_16 = tpu.memref_slice %arg2[%arg0, %arg1, %dma_start3A, %dma_start3A_14, %dma_start3A_15] : memref<2x16x10x25x80xi32, #tpu.memory_space<hbm>> -> memref<1x1x1x25x80xi32, #tpu.memory_space<hbm>>
    %dma_start3A_17 = tpu.memref_squeeze %dma_start3A_16 : memref<1x1x1x25x80xi32, #tpu.memory_space<hbm>> -> memref<25x80xi32, #tpu.memory_space<hbm>>
    tpu.enqueue_dma source(%dma_start3A_17 : memref<25x80xi32, #tpu.memory_space<hbm>>) target(%dma_start3A_13 : memref<25x80xi32, #tpu.memory_space<vmem>>) target_semaphore(%arg10 : memref<!tpu.dma_semaphore, #tpu.memory_space<semaphore_mem>>)
    %dma_start3A_18 = arith.constant 0 : i32
    %dma_start3A_19 = arith.constant 0 : i32
    %dma_start3A_20 = arith.constant 0 : i32
    %dma_start3A_21 = arith.constant 0 : i32
    %dma_start3A_22 = tpu.memref_slice %arg7[%dma_start3A_19, %dma_start3A_20, %dma_start3A_21] : memref<2x25x80xi32, #tpu.memory_space<vmem>> -> memref<1x25x80xi32, #tpu.memory_space<vmem>>
    %dma_start3A_23 = tpu.memref_squeeze %dma_start3A_22 : memref<1x25x80xi32, #tpu.memory_space<vmem>> -> memref<25x80xi32, #tpu.memory_space<vmem>>
    %dma_start3A_24 = arith.constant 0 : i32
    %dma_start3A_25 = arith.constant 0 : i32
    %dma_start3A_26 = tpu.memref_slice %arg3[%arg0, %arg1, %dma_start3A_18, %dma_start3A_24, %dma_start3A_25] : memref<2x16x10x25x80xi32, #tpu.memory_space<hbm>> -> memref<1x1x1x25x80xi32, #tpu.memory_space<hbm>>
    %dma_start3A_27 = tpu.memref_squeeze %dma_start3A_26 : memref<1x1x1x25x80xi32, #tpu.memory_space<hbm>> -> memref<25x80xi32, #tpu.memory_space<hbm>>
    %dma_start3A_28 = arith.constant 0 : i32
    %dma_start3A_29 = arith.constant 0 : i32
    %dma_start3A_30 = tpu.memref_slice %arg7[%dma_start3A_19, %dma_start3A_28, %dma_start3A_29] : memref<2x25x80xi32, #tpu.memory_space<vmem>> -> memref<1x25x80xi32, #tpu.memory_space<vmem>>
    %dma_start3A_31 = tpu.memref_squeeze %dma_start3A_30 : memref<1x25x80xi32, #tpu.memory_space<vmem>> -> memref<25x80xi32, #tpu.memory_space<vmem>>
    %dma_start3A_32 = arith.constant 0 : i32
    %dma_start3A_33 = arith.constant 0 : i32
    %dma_start3A_34 = tpu.memref_slice %arg3[%arg0, %arg1, %dma_start3A_18, %dma_start3A_32, %dma_start3A_33] : memref<2x16x10x25x80xi32, #tpu.memory_space<hbm>> -> memref<1x1x1x25x80xi32, #tpu.memory_space<hbm>>
    %dma_start3A_35 = tpu.memref_squeeze %dma_start3A_34 : memref<1x1x1x25x80xi32, #tpu.memory_space<hbm>> -> memref<25x80xi32, #tpu.memory_space<hbm>>
    tpu.enqueue_dma source(%dma_start3A_35 : memref<25x80xi32, #tpu.memory_space<hbm>>) target(%dma_start3A_31 : memref<25x80xi32, #tpu.memory_space<vmem>>) target_semaphore(%arg10 : memref<!tpu.dma_semaphore, #tpu.memory_space<semaphore_mem>>)
    %mul3A_36 = arith.constant 10240 : i32
    %mul3A_37 = arith.muli %arg0, %mul3A_36 : i32
    %add3A = arith.addi %mul3A_37, %mul3A_0 : i32
    "tpu.region"() ({
      %run_scoped3A = tpu.sem_alloc : memref<!tpu.dma_semaphore, #tpu.memory_space<semaphore_mem>>
      %dma_start3A_131 = arith.constant 0 : i32
      %dma_start3A_132 = tpu.memref_slice %arg9[%mul3A_0, %dma_start3A_131] : memref<10240x128xf32, #tpu.memory_space<vmem_shared>> -> memref<640x128xf32, #tpu.memory_space<vmem_shared>>
      %dma_start3A_133 = arith.constant 0 : i32
      %dma_start3A_134 = tpu.memref_slice %arg4[%add3A, %dma_start3A_133] : memref<20480x128xf32, #tpu.memory_space<hbm>> -> memref<640x128xf32, #tpu.memory_space<hbm>>
      tpu.enqueue_dma source(%dma_start3A_134 : memref<640x128xf32, #tpu.memory_space<hbm>>) target(%dma_start3A_132 : memref<640x128xf32, #tpu.memory_space<vmem_shared>>) target_semaphore(%run_scoped3A : memref<!tpu.dma_semaphore, #tpu.memory_space<semaphore_mem>>)
      %dma_wait3A_135 = arith.constant 0 : i32
      %dma_wait3A_136 = tpu.memref_slice %arg9[%mul3A_0, %dma_wait3A_135] : memref<10240x128xf32, #tpu.memory_space<vmem_shared>> -> memref<640x128xf32, #tpu.memory_space<vmem_shared>>
      %dma_wait3A_137 = arith.constant 0 : i32
      %dma_wait3A_138 = tpu.memref_slice %arg4[%add3A, %dma_wait3A_137] : memref<20480x128xf32, #tpu.memory_space<hbm>> -> memref<640x128xf32, #tpu.memory_space<hbm>>
      tpu.wait_dma2 semaphore(%run_scoped3A : memref<!tpu.dma_semaphore, #tpu.memory_space<semaphore_mem>>) src(%dma_wait3A_138 : memref<640x128xf32, #tpu.memory_space<hbm>>) dst(%dma_wait3A_136 : memref<640x128xf32, #tpu.memory_space<vmem_shared>>)
      tpu.yield
    }) : () -> ()
    %dma_wait3A = arith.constant 0 : i32
    %dma_wait3A_38 = arith.constant 0 : i32
    %dma_wait3A_39 = arith.constant 0 : i32
    %dma_wait3A_40 = arith.constant 0 : i32
    %dma_wait3A_41 = tpu.memref_slice %arg6[%dma_wait3A_38, %dma_wait3A_39, %dma_wait3A_40] : memref<2x25x80xi32, #tpu.memory_space<vmem>> -> memref<1x25x80xi32, #tpu.memory_space<vmem>>
    %dma_wait3A_42 = tpu.memref_squeeze %dma_wait3A_41 : memref<1x25x80xi32, #tpu.memory_space<vmem>> -> memref<25x80xi32, #tpu.memory_space<vmem>>
    %dma_wait3A_43 = arith.constant 0 : i32
    %dma_wait3A_44 = arith.constant 0 : i32
    %dma_wait3A_45 = tpu.memref_slice %arg2[%arg0, %arg1, %dma_wait3A, %dma_wait3A_43, %dma_wait3A_44] : memref<2x16x10x25x80xi32, #tpu.memory_space<hbm>> -> memref<1x1x1x25x80xi32, #tpu.memory_space<hbm>>
    %dma_wait3A_46 = tpu.memref_squeeze %dma_wait3A_45 : memref<1x1x1x25x80xi32, #tpu.memory_space<hbm>> -> memref<25x80xi32, #tpu.memory_space<hbm>>
    %dma_wait3A_47 = arith.constant 0 : i32
    %dma_wait3A_48 = arith.constant 0 : i32
    %dma_wait3A_49 = tpu.memref_slice %arg6[%dma_wait3A_38, %dma_wait3A_47, %dma_wait3A_48] : memref<2x25x80xi32, #tpu.memory_space<vmem>> -> memref<1x25x80xi32, #tpu.memory_space<vmem>>
    %dma_wait3A_50 = tpu.memref_squeeze %dma_wait3A_49 : memref<1x25x80xi32, #tpu.memory_space<vmem>> -> memref<25x80xi32, #tpu.memory_space<vmem>>
    %dma_wait3A_51 = arith.constant 0 : i32
    %dma_wait3A_52 = arith.constant 0 : i32
    %dma_wait3A_53 = tpu.memref_slice %arg2[%arg0, %arg1, %dma_wait3A, %dma_wait3A_51, %dma_wait3A_52] : memref<2x16x10x25x80xi32, #tpu.memory_space<hbm>> -> memref<1x1x1x25x80xi32, #tpu.memory_space<hbm>>
    %dma_wait3A_54 = tpu.memref_squeeze %dma_wait3A_53 : memref<1x1x1x25x80xi32, #tpu.memory_space<hbm>> -> memref<25x80xi32, #tpu.memory_space<hbm>>
    tpu.wait_dma2 semaphore(%arg10 : memref<!tpu.dma_semaphore, #tpu.memory_space<semaphore_mem>>) src(%dma_wait3A_54 : memref<25x80xi32, #tpu.memory_space<hbm>>) dst(%dma_wait3A_50 : memref<25x80xi32, #tpu.memory_space<vmem>>)
    %dma_wait3A_55 = arith.constant 0 : i32
    %dma_wait3A_56 = arith.constant 0 : i32
    %dma_wait3A_57 = arith.constant 0 : i32
    %dma_wait3A_58 = arith.constant 0 : i32
    %dma_wait3A_59 = tpu.memref_slice %arg7[%dma_wait3A_56, %dma_wait3A_57, %dma_wait3A_58] : memref<2x25x80xi32, #tpu.memory_space<vmem>> -> memref<1x25x80xi32, #tpu.memory_space<vmem>>
    %dma_wait3A_60 = tpu.memref_squeeze %dma_wait3A_59 : memref<1x25x80xi32, #tpu.memory_space<vmem>> -> memref<25x80xi32, #tpu.memory_space<vmem>>
    %dma_wait3A_61 = arith.constant 0 : i32
    %dma_wait3A_62 = arith.constant 0 : i32
    %dma_wait3A_63 = tpu.memref_slice %arg3[%arg0, %arg1, %dma_wait3A_55, %dma_wait3A_61, %dma_wait3A_62] : memref<2x16x10x25x80xi32, #tpu.memory_space<hbm>> -> memref<1x1x1x25x80xi32, #tpu.memory_space<hbm>>
    %dma_wait3A_64 = tpu.memref_squeeze %dma_wait3A_63 : memref<1x1x1x25x80xi32, #tpu.memory_space<hbm>> -> memref<25x80xi32, #tpu.memory_space<hbm>>
    %dma_wait3A_65 = arith.constant 0 : i32
    %dma_wait3A_66 = arith.constant 0 : i32
    %dma_wait3A_67 = tpu.memref_slice %arg7[%dma_wait3A_56, %dma_wait3A_65, %dma_wait3A_66] : memref<2x25x80xi32, #tpu.memory_space<vmem>> -> memref<1x25x80xi32, #tpu.memory_space<vmem>>
    %dma_wait3A_68 = tpu.memref_squeeze %dma_wait3A_67 : memref<1x25x80xi32, #tpu.memory_space<vmem>> -> memref<25x80xi32, #tpu.memory_space<vmem>>
    %dma_wait3A_69 = arith.constant 0 : i32
    %dma_wait3A_70 = arith.constant 0 : i32
    %dma_wait3A_71 = tpu.memref_slice %arg3[%arg0, %arg1, %dma_wait3A_55, %dma_wait3A_69, %dma_wait3A_70] : memref<2x16x10x25x80xi32, #tpu.memory_space<hbm>> -> memref<1x1x1x25x80xi32, #tpu.memory_space<hbm>>
    %dma_wait3A_72 = tpu.memref_squeeze %dma_wait3A_71 : memref<1x1x1x25x80xi32, #tpu.memory_space<hbm>> -> memref<25x80xi32, #tpu.memory_space<hbm>>
    tpu.wait_dma2 semaphore(%arg10 : memref<!tpu.dma_semaphore, #tpu.memory_space<semaphore_mem>>) src(%dma_wait3A_72 : memref<25x80xi32, #tpu.memory_space<hbm>>) dst(%dma_wait3A_68 : memref<25x80xi32, #tpu.memory_space<vmem>>)
    %barrier3A = arith.constant 0 : index
    tpu.barrier barrier_id(%barrier3A)
    %dma_start3A_73 = arith.constant 0 : i32
    %dma_start3A_74 = arith.constant 0 : i32
    %dma_start3A_75 = arith.constant 0 : i32
    %dma_start3A_76 = arith.constant 0 : i32
    %dma_start3A_77 = arith.constant 0 : i32
    %dma_start3A_78 = tpu.memref_slice %arg8[%dma_start3A_75, %dma_start3A_76, %dma_start3A_77] : memref<4x80x128xf32, #tpu.memory_space<vmem>> -> memref<1x80x128xf32, #tpu.memory_space<vmem>>
    %dma_start3A_79 = tpu.memref_squeeze %dma_start3A_78 : memref<1x80x128xf32, #tpu.memory_space<vmem>> -> memref<80x128xf32, #tpu.memory_space<vmem>>
    %dma_start3A_80 = arith.constant 0 : i32
    %dma_start3A_81 = tpu.memref_slice %arg6[%dma_start3A_73, %dma_start3A_74, %dma_start3A_80] : memref<2x25x80xi32, #tpu.memory_space<vmem>> -> memref<1x1x80xi32, #tpu.memory_space<vmem>>
    %dma_start3A_82 = tpu.memref_squeeze %dma_start3A_81 : memref<1x1x80xi32, #tpu.memory_space<vmem>> -> memref<80xi32, #tpu.memory_space<vmem>>
    %dma_start3A_83 = arith.constant 0 : i32
    %dma_start3A_84 = arith.constant 0 : i32
    %dma_start3A_85 = tpu.memref_slice %arg4[%dma_start3A_83, %dma_start3A_84] : memref<20480x128xf32, #tpu.memory_space<hbm>> -> memref<20480x128xf32, #tpu.memory_space<hbm>>
    tpu.enqueue_indirect_dma source(%dma_start3A_85 : memref<20480x128xf32, #tpu.memory_space<hbm>>) target(%dma_start3A_79 : memref<80x128xf32, #tpu.memory_space<vmem>>) offsets(%dma_start3A_82 : memref<80xi32, #tpu.memory_space<vmem>>) semaphore(%arg11 : memref<!tpu.dma_semaphore, #tpu.memory_space<semaphore_mem>>)
    %dma_start3A_86 = arith.constant 0 : i32
    %dma_start3A_87 = arith.constant 1 : i32
    %dma_start3A_88 = arith.constant 1 : i32
    %dma_start3A_89 = arith.constant 0 : i32
    %dma_start3A_90 = arith.constant 0 : i32
    %dma_start3A_91 = tpu.memref_slice %arg8[%dma_start3A_88, %dma_start3A_89, %dma_start3A_90] : memref<4x80x128xf32, #tpu.memory_space<vmem>> -> memref<1x80x128xf32, #tpu.memory_space<vmem>>
    %dma_start3A_92 = tpu.memref_squeeze %dma_start3A_91 : memref<1x80x128xf32, #tpu.memory_space<vmem>> -> memref<80x128xf32, #tpu.memory_space<vmem>>
    %dma_start3A_93 = arith.constant 0 : i32
    %dma_start3A_94 = tpu.memref_slice %arg6[%dma_start3A_86, %dma_start3A_87, %dma_start3A_93] : memref<2x25x80xi32, #tpu.memory_space<vmem>> -> memref<1x1x80xi32, #tpu.memory_space<vmem>>
    %dma_start3A_95 = tpu.memref_squeeze %dma_start3A_94 : memref<1x1x80xi32, #tpu.memory_space<vmem>> -> memref<80xi32, #tpu.memory_space<vmem>>
    %dma_start3A_96 = arith.constant 0 : i32
    %dma_start3A_97 = arith.constant 0 : i32
    %dma_start3A_98 = tpu.memref_slice %arg4[%dma_start3A_96, %dma_start3A_97] : memref<20480x128xf32, #tpu.memory_space<hbm>> -> memref<20480x128xf32, #tpu.memory_space<hbm>>
    tpu.enqueue_indirect_dma source(%dma_start3A_98 : memref<20480x128xf32, #tpu.memory_space<hbm>>) target(%dma_start3A_92 : memref<80x128xf32, #tpu.memory_space<vmem>>) offsets(%dma_start3A_95 : memref<80xi32, #tpu.memory_space<vmem>>) semaphore(%arg11 : memref<!tpu.dma_semaphore, #tpu.memory_space<semaphore_mem>>)
    %dma_start3A_99 = arith.constant 0 : i32
    %dma_start3A_100 = arith.constant 2 : i32
    %dma_start3A_101 = arith.constant 2 : i32
    %dma_start3A_102 = arith.constant 0 : i32
    %dma_start3A_103 = arith.constant 0 : i32
    %dma_start3A_104 = tpu.memref_slice %arg8[%dma_start3A_101, %dma_start3A_102, %dma_start3A_103] : memref<4x80x128xf32, #tpu.memory_space<vmem>> -> memref<1x80x128xf32, #tpu.memory_space<vmem>>
    %dma_start3A_105 = tpu.memref_squeeze %dma_start3A_104 : memref<1x80x128xf32, #tpu.memory_space<vmem>> -> memref<80x128xf32, #tpu.memory_space<vmem>>
    %dma_start3A_106 = arith.constant 0 : i32
    %dma_start3A_107 = tpu.memref_slice %arg6[%dma_start3A_99, %dma_start3A_100, %dma_start3A_106] : memref<2x25x80xi32, #tpu.memory_space<vmem>> -> memref<1x1x80xi32, #tpu.memory_space<vmem>>
    %dma_start3A_108 = tpu.memref_squeeze %dma_start3A_107 : memref<1x1x80xi32, #tpu.memory_space<vmem>> -> memref<80xi32, #tpu.memory_space<vmem>>
    %dma_start3A_109 = arith.constant 0 : i32
    %dma_start3A_110 = arith.constant 0 : i32
    %dma_start3A_111 = tpu.memref_slice %arg4[%dma_start3A_109, %dma_start3A_110] : memref<20480x128xf32, #tpu.memory_space<hbm>> -> memref<20480x128xf32, #tpu.memory_space<hbm>>
    tpu.enqueue_indirect_dma source(%dma_start3A_111 : memref<20480x128xf32, #tpu.memory_space<hbm>>) target(%dma_start3A_105 : memref<80x128xf32, #tpu.memory_space<vmem>>) offsets(%dma_start3A_108 : memref<80xi32, #tpu.memory_space<vmem>>) semaphore(%arg11 : memref<!tpu.dma_semaphore, #tpu.memory_space<semaphore_mem>>)
    %scan3A = arith.constant 0 : i32
    %scan3A_112 = arith.constant 0 : i32
    %scan3A_113 = arith.constant 10 : i32
    %scan3A_114 = arith.addi %scan3A_112, %scan3A_113 : i32
    %scan3A_115 = arith.constant 1 : i32
    scf.for %scan3A_131 = %scan3A_112 to %scan3A_114 step %scan3A_115  : i32 {
      %jit3A = arith.constant 2 : i32
      %eq3A = arith.constant 0 : i32
      %eq3A_132 = arith.cmpi eq, %jit3A, %eq3A : i32
      %jit3A_133 = arith.constant 1 : i32
      %select_n3A = arith.select %eq3A_132, %jit3A_133, %jit3A : i32
      %rem3A = arith.remsi %scan3A_131, %select_n3A : i32
      %ne3A = arith.constant 0 : i32
      %ne3A_134 = arith.cmpi ne, %rem3A, %ne3A : i32
      %lt3A = arith.constant 0 : i32
      %lt3A_135 = arith.cmpi slt, %rem3A, %lt3A : i32
      %lt3A_136 = arith.constant 0 : i32
      %lt3A_137 = arith.cmpi slt, %select_n3A, %lt3A_136 : i32
      %ne3A_138 = arith.xori %lt3A_135, %lt3A_137 : i1
      %and3A = arith.andi %ne3A_138, %ne3A_134 : i1
      %add3A_139 = arith.addi %rem3A, %select_n3A : i32
      %select_n3A_140 = arith.select %and3A, %add3A_139, %rem3A : i32
      %add3A_141 = arith.constant 1 : i32
      %add3A_142 = arith.addi %scan3A_131, %add3A_141 : i32
      %jit3A_143 = arith.constant 2 : i32
      %eq3A_144 = arith.constant 0 : i32
      %eq3A_145 = arith.cmpi eq, %jit3A_143, %eq3A_144 : i32
      %jit3A_146 = arith.constant 1 : i32
      %select_n3A_147 = arith.select %eq3A_145, %jit3A_146, %jit3A_143 : i32
      %rem3A_148 = arith.remsi %add3A_142, %select_n3A_147 : i32
      %ne3A_149 = arith.constant 0 : i32
      %ne3A_150 = arith.cmpi ne, %rem3A_148, %ne3A_149 : i32
      %lt3A_151 = arith.constant 0 : i32
      %lt3A_152 = arith.cmpi slt, %rem3A_148, %lt3A_151 : i32
      %lt3A_153 = arith.constant 0 : i32
      %lt3A_154 = arith.cmpi slt, %select_n3A_147, %lt3A_153 : i32
      %ne3A_155 = arith.xori %lt3A_152, %lt3A_154 : i1
      %and3A_156 = arith.andi %ne3A_155, %ne3A_150 : i1
      %add3A_157 = arith.addi %rem3A_148, %select_n3A_147 : i32
      %select_n3A_158 = arith.select %and3A_156, %add3A_157, %rem3A_148 : i32
      %add3A_159 = arith.constant 1 : i32
      %add3A_160 = arith.addi %scan3A_131, %add3A_159 : i32
      %lt3A_161 = arith.constant 10 : i32
      %lt3A_162 = arith.cmpi slt, %add3A_160, %lt3A_161 : i32
      %convert_element_type3A = arith.extui %lt3A_162 : i1 to i32
      %cond3A = arith.constant 0 : i32
      %cond3A_163 = arith.cmpi ne, %convert_element_type3A, %cond3A : i32
      scf.if %cond3A_163 {
        %add3A_170 = arith.constant 1 : i32
        %add3A_171 = arith.addi %scan3A_131, %add3A_170 : i32
        %dma_start3A_172 = arith.constant 0 : i32
        %dma_start3A_173 = arith.constant 0 : i32
        %dma_start3A_174 = tpu.memref_slice %arg6[%select_n3A_158, %dma_start3A_172, %dma_start3A_173] : memref<2x25x80xi32, #tpu.memory_space<vmem>> -> memref<1x25x80xi32, #tpu.memory_space<vmem>>
        %dma_start3A_175 = tpu.memref_squeeze %dma_start3A_174 : memref<1x25x80xi32, #tpu.memory_space<vmem>> -> memref<25x80xi32, #tpu.memory_space<vmem>>
        %dma_start3A_176 = arith.constant 0 : i32
        %dma_start3A_177 = arith.constant 0 : i32
        %dma_start3A_178 = tpu.memref_slice %arg2[%arg0, %arg1, %add3A_171, %dma_start3A_176, %dma_start3A_177] : memref<2x16x10x25x80xi32, #tpu.memory_space<hbm>> -> memref<1x1x1x25x80xi32, #tpu.memory_space<hbm>>
        %dma_start3A_179 = tpu.memref_squeeze %dma_start3A_178 : memref<1x1x1x25x80xi32, #tpu.memory_space<hbm>> -> memref<25x80xi32, #tpu.memory_space<hbm>>
        %dma_start3A_180 = arith.constant 0 : i32
        %dma_start3A_181 = arith.constant 0 : i32
        %dma_start3A_182 = tpu.memref_slice %arg6[%select_n3A_158, %dma_start3A_180, %dma_start3A_181] : memref<2x25x80xi32, #tpu.memory_space<vmem>> -> memref<1x25x80xi32, #tpu.memory_space<vmem>>
        %dma_start3A_183 = tpu.memref_squeeze %dma_start3A_182 : memref<1x25x80xi32, #tpu.memory_space<vmem>> -> memref<25x80xi32, #tpu.memory_space<vmem>>
        %dma_start3A_184 = arith.constant 0 : i32
        %dma_start3A_185 = arith.constant 0 : i32
        %dma_start3A_186 = tpu.memref_slice %arg2[%arg0, %arg1, %add3A_171, %dma_start3A_184, %dma_start3A_185] : memref<2x16x10x25x80xi32, #tpu.memory_space<hbm>> -> memref<1x1x1x25x80xi32, #tpu.memory_space<hbm>>
        %dma_start3A_187 = tpu.memref_squeeze %dma_start3A_186 : memref<1x1x1x25x80xi32, #tpu.memory_space<hbm>> -> memref<25x80xi32, #tpu.memory_space<hbm>>
        tpu.enqueue_dma source(%dma_start3A_187 : memref<25x80xi32, #tpu.memory_space<hbm>>) target(%dma_start3A_183 : memref<25x80xi32, #tpu.memory_space<vmem>>) target_semaphore(%arg10 : memref<!tpu.dma_semaphore, #tpu.memory_space<semaphore_mem>>)
        %add3A_188 = arith.constant 1 : i32
        %add3A_189 = arith.addi %scan3A_131, %add3A_188 : i32
        %dma_start3A_190 = arith.constant 0 : i32
        %dma_start3A_191 = arith.constant 0 : i32
        %dma_start3A_192 = tpu.memref_slice %arg7[%select_n3A_158, %dma_start3A_190, %dma_start3A_191] : memref<2x25x80xi32, #tpu.memory_space<vmem>> -> memref<1x25x80xi32, #tpu.memory_space<vmem>>
        %dma_start3A_193 = tpu.memref_squeeze %dma_start3A_192 : memref<1x25x80xi32, #tpu.memory_space<vmem>> -> memref<25x80xi32, #tpu.memory_space<vmem>>
        %dma_start3A_194 = arith.constant 0 : i32
        %dma_start3A_195 = arith.constant 0 : i32
        %dma_start3A_196 = tpu.memref_slice %arg3[%arg0, %arg1, %add3A_189, %dma_start3A_194, %dma_start3A_195] : memref<2x16x10x25x80xi32, #tpu.memory_space<hbm>> -> memref<1x1x1x25x80xi32, #tpu.memory_space<hbm>>
        %dma_start3A_197 = tpu.memref_squeeze %dma_start3A_196 : memref<1x1x1x25x80xi32, #tpu.memory_space<hbm>> -> memref<25x80xi32, #tpu.memory_space<hbm>>
        %dma_start3A_198 = arith.constant 0 : i32
        %dma_start3A_199 = arith.constant 0 : i32
        %dma_start3A_200 = tpu.memref_slice %arg7[%select_n3A_158, %dma_start3A_198, %dma_start3A_199] : memref<2x25x80xi32, #tpu.memory_space<vmem>> -> memref<1x25x80xi32, #tpu.memory_space<vmem>>
        %dma_start3A_201 = tpu.memref_squeeze %dma_start3A_200 : memref<1x25x80xi32, #tpu.memory_space<vmem>> -> memref<25x80xi32, #tpu.memory_space<vmem>>
        %dma_start3A_202 = arith.constant 0 : i32
        %dma_start3A_203 = arith.constant 0 : i32
        %dma_start3A_204 = tpu.memref_slice %arg3[%arg0, %arg1, %add3A_189, %dma_start3A_202, %dma_start3A_203] : memref<2x16x10x25x80xi32, #tpu.memory_space<hbm>> -> memref<1x1x1x25x80xi32, #tpu.memory_space<hbm>>
        %dma_start3A_205 = tpu.memref_squeeze %dma_start3A_204 : memref<1x1x1x25x80xi32, #tpu.memory_space<hbm>> -> memref<25x80xi32, #tpu.memory_space<hbm>>
        tpu.enqueue_dma source(%dma_start3A_205 : memref<25x80xi32, #tpu.memory_space<hbm>>) target(%dma_start3A_201 : memref<25x80xi32, #tpu.memory_space<vmem>>) target_semaphore(%arg10 : memref<!tpu.dma_semaphore, #tpu.memory_space<semaphore_mem>>)
      } else {
      }
      %scan3A_164 = arith.constant 0 : i32
      %scan3A_165 = arith.constant 0 : i32
      %scan3A_166 = arith.constant 25 : i32
      %scan3A_167 = arith.addi %scan3A_165, %scan3A_166 : i32
      %scan3A_168 = arith.constant 1 : i32
      scf.for %scan3A_170 = %scan3A_165 to %scan3A_167 step %scan3A_168  : i32 {
        %mul3A_171 = arith.constant 25 : i32
        %mul3A_172 = arith.muli %scan3A_131, %mul3A_171 : i32
        %add3A_173 = arith.addi %mul3A_172, %scan3A_170 : i32
        %jit3A_174 = arith.constant 4 : i32
        %eq3A_175 = arith.constant 0 : i32
        %eq3A_176 = arith.cmpi eq, %jit3A_174, %eq3A_175 : i32
        %jit3A_177 = arith.constant 1 : i32
        %select_n3A_178 = arith.select %eq3A_176, %jit3A_177, %jit3A_174 : i32
        %rem3A_179 = arith.remsi %add3A_173, %select_n3A_178 : i32
        %ne3A_180 = arith.constant 0 : i32
        %ne3A_181 = arith.cmpi ne, %rem3A_179, %ne3A_180 : i32
        %lt3A_182 = arith.constant 0 : i32
        %lt3A_183 = arith.cmpi slt, %rem3A_179, %lt3A_182 : i32
        %lt3A_184 = arith.constant 0 : i32
        %lt3A_185 = arith.cmpi slt, %select_n3A_178, %lt3A_184 : i32
        %ne3A_186 = arith.xori %lt3A_183, %lt3A_185 : i1
        %and3A_187 = arith.andi %ne3A_186, %ne3A_181 : i1
        %add3A_188 = arith.addi %rem3A_179, %select_n3A_178 : i32
        %select_n3A_189 = arith.select %and3A_187, %add3A_188, %rem3A_179 : i32
        %add3A_190 = arith.constant 3 : i32
        %add3A_191 = arith.addi %add3A_173, %add3A_190 : i32
        %jit3A_192 = arith.constant 4 : i32
        %eq3A_193 = arith.constant 0 : i32
        %eq3A_194 = arith.cmpi eq, %jit3A_192, %eq3A_193 : i32
        %jit3A_195 = arith.constant 1 : i32
        %select_n3A_196 = arith.select %eq3A_194, %jit3A_195, %jit3A_192 : i32
        %rem3A_197 = arith.remsi %add3A_191, %select_n3A_196 : i32
        %ne3A_198 = arith.constant 0 : i32
        %ne3A_199 = arith.cmpi ne, %rem3A_197, %ne3A_198 : i32
        %lt3A_200 = arith.constant 0 : i32
        %lt3A_201 = arith.cmpi slt, %rem3A_197, %lt3A_200 : i32
        %lt3A_202 = arith.constant 0 : i32
        %lt3A_203 = arith.cmpi slt, %select_n3A_196, %lt3A_202 : i32
        %ne3A_204 = arith.xori %lt3A_201, %lt3A_203 : i1
        %and3A_205 = arith.andi %ne3A_204, %ne3A_199 : i1
        %add3A_206 = arith.addi %rem3A_197, %select_n3A_196 : i32
        %select_n3A_207 = arith.select %and3A_205, %add3A_206, %rem3A_197 : i32
        %ge3A = arith.constant 1 : i32
        %ge3A_208 = arith.cmpi sge, %add3A_173, %ge3A : i32
        %convert_element_type3A_209 = arith.extui %ge3A_208 : i1 to i32
        %cond3A_210 = arith.constant 0 : i32
        %cond3A_211 = arith.cmpi ne, %convert_element_type3A_209, %cond3A_210 : i32
        scf.if %cond3A_211 {
          %dma_wait3A_259 = arith.constant 0 : i32
          %dma_wait3A_260 = arith.constant 0 : i32
          %dma_wait3A_261 = tpu.memref_slice %arg8[%select_n3A_207, %dma_wait3A_259, %dma_wait3A_260] : memref<4x80x128xf32, #tpu.memory_space<vmem>> -> memref<1x80x128xf32, #tpu.memory_space<vmem>>
          %dma_wait3A_262 = tpu.memref_squeeze %dma_wait3A_261 : memref<1x80x128xf32, #tpu.memory_space<vmem>> -> memref<80x128xf32, #tpu.memory_space<vmem>>
          %dma_wait3A_263 = arith.constant 0 : i32
          %dma_wait3A_264 = tpu.memref_slice %arg7[%select_n3A_140, %scan3A_170, %dma_wait3A_263] : memref<2x25x80xi32, #tpu.memory_space<vmem>> -> memref<1x1x80xi32, #tpu.memory_space<vmem>>
          %dma_wait3A_265 = tpu.memref_squeeze %dma_wait3A_264 : memref<1x1x80xi32, #tpu.memory_space<vmem>> -> memref<80xi32, #tpu.memory_space<vmem>>
          %dma_wait3A_266 = arith.constant 0 : i32
          %dma_wait3A_267 = arith.constant 0 : i32
          %dma_wait3A_268 = tpu.memref_slice %arg9[%dma_wait3A_266, %dma_wait3A_267] : memref<10240x128xf32, #tpu.memory_space<vmem_shared>> -> memref<10240x128xf32, #tpu.memory_space<vmem_shared>>
          tpu.wait_indirect_dma semaphore(%arg12 : memref<!tpu.dma_semaphore, #tpu.memory_space<semaphore_mem>>) src(%dma_wait3A_262 : memref<80x128xf32, #tpu.memory_space<vmem>>) dst(%dma_wait3A_268 : memref<10240x128xf32, #tpu.memory_space<vmem_shared>>)
        } else {
        }
        %add3A_212 = arith.constant 3 : i32
        %add3A_213 = arith.addi %scan3A_170, %add3A_212 : i32
        %ge3A_214 = arith.constant 25 : i32
        %ge3A_215 = arith.cmpi sge, %add3A_213, %ge3A_214 : i32
        %add3A_216 = arith.constant 1 : i32
        %add3A_217 = arith.addi %scan3A_131, %add3A_216 : i32
        %lt3A_218 = arith.constant 10 : i32
        %lt3A_219 = arith.cmpi slt, %add3A_217, %lt3A_218 : i32
        %and3A_220 = arith.andi %ge3A_215, %lt3A_219 : i1
        %add3A_221 = arith.constant 3 : i32
        %add3A_222 = arith.addi %scan3A_170, %add3A_221 : i32
        %eq3A_223 = arith.constant 25 : i32
        %eq3A_224 = arith.cmpi eq, %add3A_222, %eq3A_223 : i32
        %and3A_225 = arith.andi %and3A_220, %eq3A_224 : i1
        %convert_element_type3A_226 = arith.extui %and3A_225 : i1 to i32
        %cond3A_227 = arith.constant 0 : i32
        %cond3A_228 = arith.cmpi ne, %convert_element_type3A_226, %cond3A_227 : i32
        scf.if %cond3A_228 {
          %add3A_259 = arith.constant 1 : i32
          %add3A_260 = arith.addi %scan3A_131, %add3A_259 : i32
          %dma_wait3A_261 = arith.constant 0 : i32
          %dma_wait3A_262 = arith.constant 0 : i32
          %dma_wait3A_263 = tpu.memref_slice %arg6[%select_n3A_158, %dma_wait3A_261, %dma_wait3A_262] : memref<2x25x80xi32, #tpu.memory_space<vmem>> -> memref<1x25x80xi32, #tpu.memory_space<vmem>>
          %dma_wait3A_264 = tpu.memref_squeeze %dma_wait3A_263 : memref<1x25x80xi32, #tpu.memory_space<vmem>> -> memref<25x80xi32, #tpu.memory_space<vmem>>
          %dma_wait3A_265 = arith.constant 0 : i32
          %dma_wait3A_266 = arith.constant 0 : i32
          %dma_wait3A_267 = tpu.memref_slice %arg2[%arg0, %arg1, %add3A_260, %dma_wait3A_265, %dma_wait3A_266] : memref<2x16x10x25x80xi32, #tpu.memory_space<hbm>> -> memref<1x1x1x25x80xi32, #tpu.memory_space<hbm>>
          %dma_wait3A_268 = tpu.memref_squeeze %dma_wait3A_267 : memref<1x1x1x25x80xi32, #tpu.memory_space<hbm>> -> memref<25x80xi32, #tpu.memory_space<hbm>>
          %dma_wait3A_269 = arith.constant 0 : i32
          %dma_wait3A_270 = arith.constant 0 : i32
          %dma_wait3A_271 = tpu.memref_slice %arg6[%select_n3A_158, %dma_wait3A_269, %dma_wait3A_270] : memref<2x25x80xi32, #tpu.memory_space<vmem>> -> memref<1x25x80xi32, #tpu.memory_space<vmem>>
          %dma_wait3A_272 = tpu.memref_squeeze %dma_wait3A_271 : memref<1x25x80xi32, #tpu.memory_space<vmem>> -> memref<25x80xi32, #tpu.memory_space<vmem>>
          %dma_wait3A_273 = arith.constant 0 : i32
          %dma_wait3A_274 = arith.constant 0 : i32
          %dma_wait3A_275 = tpu.memref_slice %arg2[%arg0, %arg1, %add3A_260, %dma_wait3A_273, %dma_wait3A_274] : memref<2x16x10x25x80xi32, #tpu.memory_space<hbm>> -> memref<1x1x1x25x80xi32, #tpu.memory_space<hbm>>
          %dma_wait3A_276 = tpu.memref_squeeze %dma_wait3A_275 : memref<1x1x1x25x80xi32, #tpu.memory_space<hbm>> -> memref<25x80xi32, #tpu.memory_space<hbm>>
          tpu.wait_dma2 semaphore(%arg10 : memref<!tpu.dma_semaphore, #tpu.memory_space<semaphore_mem>>) src(%dma_wait3A_276 : memref<25x80xi32, #tpu.memory_space<hbm>>) dst(%dma_wait3A_272 : memref<25x80xi32, #tpu.memory_space<vmem>>)
          %add3A_277 = arith.constant 1 : i32
          %add3A_278 = arith.addi %scan3A_131, %add3A_277 : i32
          %dma_wait3A_279 = arith.constant 0 : i32
          %dma_wait3A_280 = arith.constant 0 : i32
          %dma_wait3A_281 = tpu.memref_slice %arg7[%select_n3A_158, %dma_wait3A_279, %dma_wait3A_280] : memref<2x25x80xi32, #tpu.memory_space<vmem>> -> memref<1x25x80xi32, #tpu.memory_space<vmem>>
          %dma_wait3A_282 = tpu.memref_squeeze %dma_wait3A_281 : memref<1x25x80xi32, #tpu.memory_space<vmem>> -> memref<25x80xi32, #tpu.memory_space<vmem>>
          %dma_wait3A_283 = arith.constant 0 : i32
          %dma_wait3A_284 = arith.constant 0 : i32
          %dma_wait3A_285 = tpu.memref_slice %arg3[%arg0, %arg1, %add3A_278, %dma_wait3A_283, %dma_wait3A_284] : memref<2x16x10x25x80xi32, #tpu.memory_space<hbm>> -> memref<1x1x1x25x80xi32, #tpu.memory_space<hbm>>
          %dma_wait3A_286 = tpu.memref_squeeze %dma_wait3A_285 : memref<1x1x1x25x80xi32, #tpu.memory_space<hbm>> -> memref<25x80xi32, #tpu.memory_space<hbm>>
          %dma_wait3A_287 = arith.constant 0 : i32
          %dma_wait3A_288 = arith.constant 0 : i32
          %dma_wait3A_289 = tpu.memref_slice %arg7[%select_n3A_158, %dma_wait3A_287, %dma_wait3A_288] : memref<2x25x80xi32, #tpu.memory_space<vmem>> -> memref<1x25x80xi32, #tpu.memory_space<vmem>>
          %dma_wait3A_290 = tpu.memref_squeeze %dma_wait3A_289 : memref<1x25x80xi32, #tpu.memory_space<vmem>> -> memref<25x80xi32, #tpu.memory_space<vmem>>
          %dma_wait3A_291 = arith.constant 0 : i32
          %dma_wait3A_292 = arith.constant 0 : i32
          %dma_wait3A_293 = tpu.memref_slice %arg3[%arg0, %arg1, %add3A_278, %dma_wait3A_291, %dma_wait3A_292] : memref<2x16x10x25x80xi32, #tpu.memory_space<hbm>> -> memref<1x1x1x25x80xi32, #tpu.memory_space<hbm>>
          %dma_wait3A_294 = tpu.memref_squeeze %dma_wait3A_293 : memref<1x1x1x25x80xi32, #tpu.memory_space<hbm>> -> memref<25x80xi32, #tpu.memory_space<hbm>>
          tpu.wait_dma2 semaphore(%arg10 : memref<!tpu.dma_semaphore, #tpu.memory_space<semaphore_mem>>) src(%dma_wait3A_294 : memref<25x80xi32, #tpu.memory_space<hbm>>) dst(%dma_wait3A_290 : memref<25x80xi32, #tpu.memory_space<vmem>>)
        } else {
        }
        %add3A_229 = arith.constant 3 : i32
        %add3A_230 = arith.addi %scan3A_170, %add3A_229 : i32
        %lt3A_231 = arith.constant 25 : i32
        %lt3A_232 = arith.cmpi slt, %add3A_230, %lt3A_231 : i32
        %convert_element_type3A_233 = arith.extui %lt3A_232 : i1 to i32
        %cond3A_234 = arith.constant 0 : i32
        %cond3A_235 = arith.cmpi ne, %convert_element_type3A_233, %cond3A_234 : i32
        scf.if %cond3A_235 {
          %add3A_259 = arith.constant 3 : i32
          %add3A_260 = arith.addi %scan3A_170, %add3A_259 : i32
          %dma_start3A_261 = arith.constant 0 : i32
          %dma_start3A_262 = arith.constant 0 : i32
          %dma_start3A_263 = tpu.memref_slice %arg8[%select_n3A_207, %dma_start3A_261, %dma_start3A_262] : memref<4x80x128xf32, #tpu.memory_space<vmem>> -> memref<1x80x128xf32, #tpu.memory_space<vmem>>
          %dma_start3A_264 = tpu.memref_squeeze %dma_start3A_263 : memref<1x80x128xf32, #tpu.memory_space<vmem>> -> memref<80x128xf32, #tpu.memory_space<vmem>>
          %dma_start3A_265 = arith.constant 0 : i32
          %dma_start3A_266 = tpu.memref_slice %arg6[%select_n3A_140, %add3A_260, %dma_start3A_265] : memref<2x25x80xi32, #tpu.memory_space<vmem>> -> memref<1x1x80xi32, #tpu.memory_space<vmem>>
          %dma_start3A_267 = tpu.memref_squeeze %dma_start3A_266 : memref<1x1x80xi32, #tpu.memory_space<vmem>> -> memref<80xi32, #tpu.memory_space<vmem>>
          %dma_start3A_268 = arith.constant 0 : i32
          %dma_start3A_269 = arith.constant 0 : i32
          %dma_start3A_270 = tpu.memref_slice %arg4[%dma_start3A_268, %dma_start3A_269] : memref<20480x128xf32, #tpu.memory_space<hbm>> -> memref<20480x128xf32, #tpu.memory_space<hbm>>
          tpu.enqueue_indirect_dma source(%dma_start3A_270 : memref<20480x128xf32, #tpu.memory_space<hbm>>) target(%dma_start3A_264 : memref<80x128xf32, #tpu.memory_space<vmem>>) offsets(%dma_start3A_267 : memref<80xi32, #tpu.memory_space<vmem>>) semaphore(%arg11 : memref<!tpu.dma_semaphore, #tpu.memory_space<semaphore_mem>>)
        } else {
        }
        %convert_element_type3A_236 = arith.extui %and3A_220 : i1 to i32
        %cond3A_237 = arith.constant 0 : i32
        %cond3A_238 = arith.cmpi ne, %convert_element_type3A_236, %cond3A_237 : i32
        scf.if %cond3A_238 {
          %add3A_259 = arith.constant 3 : i32
          %add3A_260 = arith.addi %scan3A_170, %add3A_259 : i32
          %sub3A = arith.constant 25 : i32
          %sub3A_261 = arith.subi %add3A_260, %sub3A : i32
          %dma_start3A_262 = arith.constant 0 : i32
          %dma_start3A_263 = arith.constant 0 : i32
          %dma_start3A_264 = tpu.memref_slice %arg8[%select_n3A_207, %dma_start3A_262, %dma_start3A_263] : memref<4x80x128xf32, #tpu.memory_space<vmem>> -> memref<1x80x128xf32, #tpu.memory_space<vmem>>
          %dma_start3A_265 = tpu.memref_squeeze %dma_start3A_264 : memref<1x80x128xf32, #tpu.memory_space<vmem>> -> memref<80x128xf32, #tpu.memory_space<vmem>>
          %dma_start3A_266 = arith.constant 0 : i32
          %dma_start3A_267 = tpu.memref_slice %arg6[%select_n3A_158, %sub3A_261, %dma_start3A_266] : memref<2x25x80xi32, #tpu.memory_space<vmem>> -> memref<1x1x80xi32, #tpu.memory_space<vmem>>
          %dma_start3A_268 = tpu.memref_squeeze %dma_start3A_267 : memref<1x1x80xi32, #tpu.memory_space<vmem>> -> memref<80xi32, #tpu.memory_space<vmem>>
          %dma_start3A_269 = arith.constant 0 : i32
          %dma_start3A_270 = arith.constant 0 : i32
          %dma_start3A_271 = tpu.memref_slice %arg4[%dma_start3A_269, %dma_start3A_270] : memref<20480x128xf32, #tpu.memory_space<hbm>> -> memref<20480x128xf32, #tpu.memory_space<hbm>>
          tpu.enqueue_indirect_dma source(%dma_start3A_271 : memref<20480x128xf32, #tpu.memory_space<hbm>>) target(%dma_start3A_265 : memref<80x128xf32, #tpu.memory_space<vmem>>) offsets(%dma_start3A_268 : memref<80xi32, #tpu.memory_space<vmem>>) semaphore(%arg11 : memref<!tpu.dma_semaphore, #tpu.memory_space<semaphore_mem>>)
        } else {
        }
        %dma_wait3A_239 = arith.constant 0 : i32
        %dma_wait3A_240 = arith.constant 0 : i32
        %dma_wait3A_241 = tpu.memref_slice %arg8[%select_n3A_189, %dma_wait3A_239, %dma_wait3A_240] : memref<4x80x128xf32, #tpu.memory_space<vmem>> -> memref<1x80x128xf32, #tpu.memory_space<vmem>>
        %dma_wait3A_242 = tpu.memref_squeeze %dma_wait3A_241 : memref<1x80x128xf32, #tpu.memory_space<vmem>> -> memref<80x128xf32, #tpu.memory_space<vmem>>
        %dma_wait3A_243 = arith.constant 0 : i32
        %dma_wait3A_244 = tpu.memref_slice %arg6[%select_n3A_140, %scan3A_170, %dma_wait3A_243] : memref<2x25x80xi32, #tpu.memory_space<vmem>> -> memref<1x1x80xi32, #tpu.memory_space<vmem>>
        %dma_wait3A_245 = tpu.memref_squeeze %dma_wait3A_244 : memref<1x1x80xi32, #tpu.memory_space<vmem>> -> memref<80xi32, #tpu.memory_space<vmem>>
        %dma_wait3A_246 = arith.constant 0 : i32
        %dma_wait3A_247 = arith.constant 0 : i32
        %dma_wait3A_248 = tpu.memref_slice %arg4[%dma_wait3A_246, %dma_wait3A_247] : memref<20480x128xf32, #tpu.memory_space<hbm>> -> memref<20480x128xf32, #tpu.memory_space<hbm>>
        tpu.wait_indirect_dma semaphore(%arg11 : memref<!tpu.dma_semaphore, #tpu.memory_space<semaphore_mem>>) src(%dma_wait3A_248 : memref<20480x128xf32, #tpu.memory_space<hbm>>) dst(%dma_wait3A_242 : memref<80x128xf32, #tpu.memory_space<vmem>>)
        %dma_start3A_249 = arith.constant 0 : i32
        %dma_start3A_250 = arith.constant 0 : i32
        %dma_start3A_251 = tpu.memref_slice %arg8[%select_n3A_189, %dma_start3A_249, %dma_start3A_250] : memref<4x80x128xf32, #tpu.memory_space<vmem>> -> memref<1x80x128xf32, #tpu.memory_space<vmem>>
        %dma_start3A_252 = tpu.memref_squeeze %dma_start3A_251 : memref<1x80x128xf32, #tpu.memory_space<vmem>> -> memref<80x128xf32, #tpu.memory_space<vmem>>
        %dma_start3A_253 = arith.constant 0 : i32
        %dma_start3A_254 = tpu.memref_slice %arg7[%select_n3A_140, %scan3A_170, %dma_start3A_253] : memref<2x25x80xi32, #tpu.memory_space<vmem>> -> memref<1x1x80xi32, #tpu.memory_space<vmem>>
        %dma_start3A_255 = tpu.memref_squeeze %dma_start3A_254 : memref<1x1x80xi32, #tpu.memory_space<vmem>> -> memref<80xi32, #tpu.memory_space<vmem>>
        %dma_start3A_256 = arith.constant 0 : i32
        %dma_start3A_257 = arith.constant 0 : i32
        %dma_start3A_258 = tpu.memref_slice %arg9[%dma_start3A_256, %dma_start3A_257] : memref<10240x128xf32, #tpu.memory_space<vmem_shared>> -> memref<10240x128xf32, #tpu.memory_space<vmem_shared>>
        tpu.enqueue_indirect_dma source(%dma_start3A_252 : memref<80x128xf32, #tpu.memory_space<vmem>>) target(%dma_start3A_258 : memref<10240x128xf32, #tpu.memory_space<vmem_shared>>) offsets(%dma_start3A_255 : memref<80xi32, #tpu.memory_space<vmem>>) semaphore(%arg12 : memref<!tpu.dma_semaphore, #tpu.memory_space<semaphore_mem>>) {add = true}
      }
      %scan3A_169 = arith.constant 25 : i32
    }
    %scan3A_116 = arith.constant 10 : i32
    %dma_wait3A_117 = arith.constant 1 : i32
    %dma_wait3A_118 = arith.constant 1 : i32
    %dma_wait3A_119 = arith.constant 24 : i32
    %dma_wait3A_120 = arith.constant 0 : i32
    %dma_wait3A_121 = arith.constant 0 : i32
    %dma_wait3A_122 = tpu.memref_slice %arg8[%dma_wait3A_117, %dma_wait3A_120, %dma_wait3A_121] : memref<4x80x128xf32, #tpu.memory_space<vmem>> -> memref<1x80x128xf32, #tpu.memory_space<vmem>>
    %dma_wait3A_123 = tpu.memref_squeeze %dma_wait3A_122 : memref<1x80x128xf32, #tpu.memory_space<vmem>> -> memref<80x128xf32, #tpu.memory_space<vmem>>
    %dma_wait3A_124 = arith.constant 0 : i32
    %dma_wait3A_125 = tpu.memref_slice %arg7[%dma_wait3A_118, %dma_wait3A_119, %dma_wait3A_124] : memref<2x25x80xi32, #tpu.memory_space<vmem>> -> memref<1x1x80xi32, #tpu.memory_space<vmem>>
    %dma_wait3A_126 = tpu.memref_squeeze %dma_wait3A_125 : memref<1x1x80xi32, #tpu.memory_space<vmem>> -> memref<80xi32, #tpu.memory_space<vmem>>
    %dma_wait3A_127 = arith.constant 0 : i32
    %dma_wait3A_128 = arith.constant 0 : i32
    %dma_wait3A_129 = tpu.memref_slice %arg9[%dma_wait3A_127, %dma_wait3A_128] : memref<10240x128xf32, #tpu.memory_space<vmem_shared>> -> memref<10240x128xf32, #tpu.memory_space<vmem_shared>>
    tpu.wait_indirect_dma semaphore(%arg12 : memref<!tpu.dma_semaphore, #tpu.memory_space<semaphore_mem>>) src(%dma_wait3A_123 : memref<80x128xf32, #tpu.memory_space<vmem>>) dst(%dma_wait3A_129 : memref<10240x128xf32, #tpu.memory_space<vmem_shared>>)
    %barrier3A_130 = arith.constant 0 : index
    tpu.barrier barrier_id(%barrier3A_130)
    "tpu.region"() ({
      %run_scoped3A = tpu.sem_alloc : memref<!tpu.dma_semaphore, #tpu.memory_space<semaphore_mem>>
      %dma_start3A_131 = arith.constant 0 : i32
      %dma_start3A_132 = tpu.memref_slice %arg5[%arg0, %mul3A_0, %dma_start3A_131] : memref<2x10240x128xf32, #tpu.memory_space<hbm>> -> memref<1x640x128xf32, #tpu.memory_space<hbm>>
      %dma_start3A_133 = tpu.memref_squeeze %dma_start3A_132 : memref<1x640x128xf32, #tpu.memory_space<hbm>> -> memref<640x128xf32, #tpu.memory_space<hbm>>
      %dma_start3A_134 = arith.constant 0 : i32
      %dma_start3A_135 = tpu.memref_slice %arg9[%mul3A_0, %dma_start3A_134] : memref<10240x128xf32, #tpu.memory_space<vmem_shared>> -> memref<640x128xf32, #tpu.memory_space<vmem_shared>>
      tpu.enqueue_dma source(%dma_start3A_135 : memref<640x128xf32, #tpu.memory_space<vmem_shared>>) target(%dma_start3A_133 : memref<640x128xf32, #tpu.memory_space<hbm>>) target_semaphore(%run_scoped3A : memref<!tpu.dma_semaphore, #tpu.memory_space<semaphore_mem>>)
      %dma_wait3A_136 = arith.constant 0 : i32
      %dma_wait3A_137 = tpu.memref_slice %arg5[%arg0, %mul3A_0, %dma_wait3A_136] : memref<2x10240x128xf32, #tpu.memory_space<hbm>> -> memref<1x640x128xf32, #tpu.memory_space<hbm>>
      %dma_wait3A_138 = tpu.memref_squeeze %dma_wait3A_137 : memref<1x640x128xf32, #tpu.memory_space<hbm>> -> memref<640x128xf32, #tpu.memory_space<hbm>>
      %dma_wait3A_139 = arith.constant 0 : i32
      %dma_wait3A_140 = tpu.memref_slice %arg9[%mul3A_0, %dma_wait3A_139] : memref<10240x128xf32, #tpu.memory_space<vmem_shared>> -> memref<640x128xf32, #tpu.memory_space<vmem_shared>>
      tpu.wait_dma2 semaphore(%run_scoped3A : memref<!tpu.dma_semaphore, #tpu.memory_space<semaphore_mem>>) src(%dma_wait3A_140 : memref<640x128xf32, #tpu.memory_space<vmem_shared>>) dst(%dma_wait3A_138 : memref<640x128xf32, #tpu.memory_space<hbm>>)
      tpu.yield
    }) : () -> ()
    return
  }
}

#map = affine_map<(d0, d1) -> (0, 0, 0, 0, 0)>
#map1 = affine_map<(d0, d1) -> (0, 0)>
#map2 = affine_map<(d0, d1) -> (0, 0, 0)>
module attributes {stable_mosaic.version = 14 : i64} {
  func.func @gs_kernel(%arg0: i32, %arg1: i32, %arg2: memref<2x16x10x25x80xi32, #tpu.memory_space<hbm>>, %arg3: memref<2x16x10x25x80xi32, #tpu.memory_space<hbm>>, %arg4: memref<20480x64xf32, #tpu.memory_space<hbm>>, %arg5: memref<2x10240x64xf32, #tpu.memory_space<hbm>>, %arg6: memref<2x25x80xi32, #tpu.memory_space<vmem>>, %arg7: memref<2x25x80xi32, #tpu.memory_space<vmem>>, %arg8: memref<8x80x64xf32, #tpu.memory_space<vmem>>, %arg9: memref<10240x64xf32, #tpu.memory_space<vmem_shared>>, %arg10: memref<!tpu.dma_semaphore, #tpu.memory_space<semaphore_mem>>, %arg11: memref<!tpu.dma_semaphore, #tpu.memory_space<semaphore_mem>>, %arg12: memref<!tpu.dma_semaphore, #tpu.memory_space<semaphore_mem>>) attributes {dimension_semantics = [#tpu.dimension_semantics<core_parallel>, #tpu.dimension_semantics<subcore_parallel>], iteration_bounds = array<i64: 2, 16>, scalar_prefetch = 0 : i64, scratch_operands = 7 : i64, tpu.core_type = #tpu.core_type<sc_vector_subcore>, window_params = [{transform_indices = #map}, {transform_indices = #map}, {transform_indices = #map1}, {transform_indices = #map2}]} {
    %mul3A = arith.constant 640 : i32
    %mul3A_0 = arith.muli %arg1, %mul3A : i32
    %dma_start3A = arith.constant 0 : i32
    %dma_start3A_1 = arith.constant 0 : i32
    %dma_start3A_2 = arith.constant 0 : i32
    %dma_start3A_3 = arith.constant 0 : i32
    %dma_start3A_4 = tpu.memref_slice %arg6[%dma_start3A_1, %dma_start3A_2, %dma_start3A_3] : memref<2x25x80xi32, #tpu.memory_space<vmem>> -> memref<1x25x80xi32, #tpu.memory_space<vmem>>
    %dma_start3A_5 = tpu.memref_squeeze %dma_start3A_4 : memref<1x25x80xi32, #tpu.memory_space<vmem>> -> memref<25x80xi32, #tpu.memory_space<vmem>>
    %dma_start3A_6 = arith.constant 0 : i32
    %dma_start3A_7 = arith.constant 0 : i32
    %dma_start3A_8 = tpu.memref_slice %arg2[%arg0, %arg1, %dma_start3A, %dma_start3A_6, %dma_start3A_7] : memref<2x16x10x25x80xi32, #tpu.memory_space<hbm>> -> memref<1x1x1x25x80xi32, #tpu.memory_space<hbm>>
    %dma_start3A_9 = tpu.memref_squeeze %dma_start3A_8 : memref<1x1x1x25x80xi32, #tpu.memory_space<hbm>> -> memref<25x80xi32, #tpu.memory_space<hbm>>
    %dma_start3A_10 = arith.constant 0 : i32
    %dma_start3A_11 = arith.constant 0 : i32
    %dma_start3A_12 = tpu.memref_slice %arg6[%dma_start3A_1, %dma_start3A_10, %dma_start3A_11] : memref<2x25x80xi32, #tpu.memory_space<vmem>> -> memref<1x25x80xi32, #tpu.memory_space<vmem>>
    %dma_start3A_13 = tpu.memref_squeeze %dma_start3A_12 : memref<1x25x80xi32, #tpu.memory_space<vmem>> -> memref<25x80xi32, #tpu.memory_space<vmem>>
    %dma_start3A_14 = arith.constant 0 : i32
    %dma_start3A_15 = arith.constant 0 : i32
    %dma_start3A_16 = tpu.memref_slice %arg2[%arg0, %arg1, %dma_start3A, %dma_start3A_14, %dma_start3A_15] : memref<2x16x10x25x80xi32, #tpu.memory_space<hbm>> -> memref<1x1x1x25x80xi32, #tpu.memory_space<hbm>>
    %dma_start3A_17 = tpu.memref_squeeze %dma_start3A_16 : memref<1x1x1x25x80xi32, #tpu.memory_space<hbm>> -> memref<25x80xi32, #tpu.memory_space<hbm>>
    tpu.enqueue_dma source(%dma_start3A_17 : memref<25x80xi32, #tpu.memory_space<hbm>>) target(%dma_start3A_13 : memref<25x80xi32, #tpu.memory_space<vmem>>) target_semaphore(%arg10 : memref<!tpu.dma_semaphore, #tpu.memory_space<semaphore_mem>>)
    %dma_start3A_18 = arith.constant 0 : i32
    %dma_start3A_19 = arith.constant 0 : i32
    %dma_start3A_20 = arith.constant 0 : i32
    %dma_start3A_21 = arith.constant 0 : i32
    %dma_start3A_22 = tpu.memref_slice %arg7[%dma_start3A_19, %dma_start3A_20, %dma_start3A_21] : memref<2x25x80xi32, #tpu.memory_space<vmem>> -> memref<1x25x80xi32, #tpu.memory_space<vmem>>
    %dma_start3A_23 = tpu.memref_squeeze %dma_start3A_22 : memref<1x25x80xi32, #tpu.memory_space<vmem>> -> memref<25x80xi32, #tpu.memory_space<vmem>>
    %dma_start3A_24 = arith.constant 0 : i32
    %dma_start3A_25 = arith.constant 0 : i32
    %dma_start3A_26 = tpu.memref_slice %arg3[%arg0, %arg1, %dma_start3A_18, %dma_start3A_24, %dma_start3A_25] : memref<2x16x10x25x80xi32, #tpu.memory_space<hbm>> -> memref<1x1x1x25x80xi32, #tpu.memory_space<hbm>>
    %dma_start3A_27 = tpu.memref_squeeze %dma_start3A_26 : memref<1x1x1x25x80xi32, #tpu.memory_space<hbm>> -> memref<25x80xi32, #tpu.memory_space<hbm>>
    %dma_start3A_28 = arith.constant 0 : i32
    %dma_start3A_29 = arith.constant 0 : i32
    %dma_start3A_30 = tpu.memref_slice %arg7[%dma_start3A_19, %dma_start3A_28, %dma_start3A_29] : memref<2x25x80xi32, #tpu.memory_space<vmem>> -> memref<1x25x80xi32, #tpu.memory_space<vmem>>
    %dma_start3A_31 = tpu.memref_squeeze %dma_start3A_30 : memref<1x25x80xi32, #tpu.memory_space<vmem>> -> memref<25x80xi32, #tpu.memory_space<vmem>>
    %dma_start3A_32 = arith.constant 0 : i32
    %dma_start3A_33 = arith.constant 0 : i32
    %dma_start3A_34 = tpu.memref_slice %arg3[%arg0, %arg1, %dma_start3A_18, %dma_start3A_32, %dma_start3A_33] : memref<2x16x10x25x80xi32, #tpu.memory_space<hbm>> -> memref<1x1x1x25x80xi32, #tpu.memory_space<hbm>>
    %dma_start3A_35 = tpu.memref_squeeze %dma_start3A_34 : memref<1x1x1x25x80xi32, #tpu.memory_space<hbm>> -> memref<25x80xi32, #tpu.memory_space<hbm>>
    tpu.enqueue_dma source(%dma_start3A_35 : memref<25x80xi32, #tpu.memory_space<hbm>>) target(%dma_start3A_31 : memref<25x80xi32, #tpu.memory_space<vmem>>) target_semaphore(%arg10 : memref<!tpu.dma_semaphore, #tpu.memory_space<semaphore_mem>>)
    %mul3A_36 = arith.constant 10240 : i32
    %mul3A_37 = arith.muli %arg0, %mul3A_36 : i32
    %add3A = arith.addi %mul3A_37, %mul3A_0 : i32
    "tpu.region"() ({
      %run_scoped3A = tpu.sem_alloc : memref<!tpu.dma_semaphore, #tpu.memory_space<semaphore_mem>>
      %dma_start3A_183 = arith.constant 0 : i32
      %dma_start3A_184 = tpu.memref_slice %arg9[%mul3A_0, %dma_start3A_183] : memref<10240x64xf32, #tpu.memory_space<vmem_shared>> -> memref<640x64xf32, #tpu.memory_space<vmem_shared>>
      %dma_start3A_185 = arith.constant 0 : i32
      %dma_start3A_186 = tpu.memref_slice %arg4[%add3A, %dma_start3A_185] : memref<20480x64xf32, #tpu.memory_space<hbm>> -> memref<640x64xf32, #tpu.memory_space<hbm>>
      tpu.enqueue_dma source(%dma_start3A_186 : memref<640x64xf32, #tpu.memory_space<hbm>>) target(%dma_start3A_184 : memref<640x64xf32, #tpu.memory_space<vmem_shared>>) target_semaphore(%run_scoped3A : memref<!tpu.dma_semaphore, #tpu.memory_space<semaphore_mem>>)
      %dma_wait3A_187 = arith.constant 0 : i32
      %dma_wait3A_188 = tpu.memref_slice %arg9[%mul3A_0, %dma_wait3A_187] : memref<10240x64xf32, #tpu.memory_space<vmem_shared>> -> memref<640x64xf32, #tpu.memory_space<vmem_shared>>
      %dma_wait3A_189 = arith.constant 0 : i32
      %dma_wait3A_190 = tpu.memref_slice %arg4[%add3A, %dma_wait3A_189] : memref<20480x64xf32, #tpu.memory_space<hbm>> -> memref<640x64xf32, #tpu.memory_space<hbm>>
      tpu.wait_dma2 semaphore(%run_scoped3A : memref<!tpu.dma_semaphore, #tpu.memory_space<semaphore_mem>>) src(%dma_wait3A_190 : memref<640x64xf32, #tpu.memory_space<hbm>>) dst(%dma_wait3A_188 : memref<640x64xf32, #tpu.memory_space<vmem_shared>>)
      tpu.yield
    }) : () -> ()
    %dma_wait3A = arith.constant 0 : i32
    %dma_wait3A_38 = arith.constant 0 : i32
    %dma_wait3A_39 = arith.constant 0 : i32
    %dma_wait3A_40 = arith.constant 0 : i32
    %dma_wait3A_41 = tpu.memref_slice %arg6[%dma_wait3A_38, %dma_wait3A_39, %dma_wait3A_40] : memref<2x25x80xi32, #tpu.memory_space<vmem>> -> memref<1x25x80xi32, #tpu.memory_space<vmem>>
    %dma_wait3A_42 = tpu.memref_squeeze %dma_wait3A_41 : memref<1x25x80xi32, #tpu.memory_space<vmem>> -> memref<25x80xi32, #tpu.memory_space<vmem>>
    %dma_wait3A_43 = arith.constant 0 : i32
    %dma_wait3A_44 = arith.constant 0 : i32
    %dma_wait3A_45 = tpu.memref_slice %arg2[%arg0, %arg1, %dma_wait3A, %dma_wait3A_43, %dma_wait3A_44] : memref<2x16x10x25x80xi32, #tpu.memory_space<hbm>> -> memref<1x1x1x25x80xi32, #tpu.memory_space<hbm>>
    %dma_wait3A_46 = tpu.memref_squeeze %dma_wait3A_45 : memref<1x1x1x25x80xi32, #tpu.memory_space<hbm>> -> memref<25x80xi32, #tpu.memory_space<hbm>>
    %dma_wait3A_47 = arith.constant 0 : i32
    %dma_wait3A_48 = arith.constant 0 : i32
    %dma_wait3A_49 = tpu.memref_slice %arg6[%dma_wait3A_38, %dma_wait3A_47, %dma_wait3A_48] : memref<2x25x80xi32, #tpu.memory_space<vmem>> -> memref<1x25x80xi32, #tpu.memory_space<vmem>>
    %dma_wait3A_50 = tpu.memref_squeeze %dma_wait3A_49 : memref<1x25x80xi32, #tpu.memory_space<vmem>> -> memref<25x80xi32, #tpu.memory_space<vmem>>
    %dma_wait3A_51 = arith.constant 0 : i32
    %dma_wait3A_52 = arith.constant 0 : i32
    %dma_wait3A_53 = tpu.memref_slice %arg2[%arg0, %arg1, %dma_wait3A, %dma_wait3A_51, %dma_wait3A_52] : memref<2x16x10x25x80xi32, #tpu.memory_space<hbm>> -> memref<1x1x1x25x80xi32, #tpu.memory_space<hbm>>
    %dma_wait3A_54 = tpu.memref_squeeze %dma_wait3A_53 : memref<1x1x1x25x80xi32, #tpu.memory_space<hbm>> -> memref<25x80xi32, #tpu.memory_space<hbm>>
    tpu.wait_dma2 semaphore(%arg10 : memref<!tpu.dma_semaphore, #tpu.memory_space<semaphore_mem>>) src(%dma_wait3A_54 : memref<25x80xi32, #tpu.memory_space<hbm>>) dst(%dma_wait3A_50 : memref<25x80xi32, #tpu.memory_space<vmem>>)
    %dma_wait3A_55 = arith.constant 0 : i32
    %dma_wait3A_56 = arith.constant 0 : i32
    %dma_wait3A_57 = arith.constant 0 : i32
    %dma_wait3A_58 = arith.constant 0 : i32
    %dma_wait3A_59 = tpu.memref_slice %arg7[%dma_wait3A_56, %dma_wait3A_57, %dma_wait3A_58] : memref<2x25x80xi32, #tpu.memory_space<vmem>> -> memref<1x25x80xi32, #tpu.memory_space<vmem>>
    %dma_wait3A_60 = tpu.memref_squeeze %dma_wait3A_59 : memref<1x25x80xi32, #tpu.memory_space<vmem>> -> memref<25x80xi32, #tpu.memory_space<vmem>>
    %dma_wait3A_61 = arith.constant 0 : i32
    %dma_wait3A_62 = arith.constant 0 : i32
    %dma_wait3A_63 = tpu.memref_slice %arg3[%arg0, %arg1, %dma_wait3A_55, %dma_wait3A_61, %dma_wait3A_62] : memref<2x16x10x25x80xi32, #tpu.memory_space<hbm>> -> memref<1x1x1x25x80xi32, #tpu.memory_space<hbm>>
    %dma_wait3A_64 = tpu.memref_squeeze %dma_wait3A_63 : memref<1x1x1x25x80xi32, #tpu.memory_space<hbm>> -> memref<25x80xi32, #tpu.memory_space<hbm>>
    %dma_wait3A_65 = arith.constant 0 : i32
    %dma_wait3A_66 = arith.constant 0 : i32
    %dma_wait3A_67 = tpu.memref_slice %arg7[%dma_wait3A_56, %dma_wait3A_65, %dma_wait3A_66] : memref<2x25x80xi32, #tpu.memory_space<vmem>> -> memref<1x25x80xi32, #tpu.memory_space<vmem>>
    %dma_wait3A_68 = tpu.memref_squeeze %dma_wait3A_67 : memref<1x25x80xi32, #tpu.memory_space<vmem>> -> memref<25x80xi32, #tpu.memory_space<vmem>>
    %dma_wait3A_69 = arith.constant 0 : i32
    %dma_wait3A_70 = arith.constant 0 : i32
    %dma_wait3A_71 = tpu.memref_slice %arg3[%arg0, %arg1, %dma_wait3A_55, %dma_wait3A_69, %dma_wait3A_70] : memref<2x16x10x25x80xi32, #tpu.memory_space<hbm>> -> memref<1x1x1x25x80xi32, #tpu.memory_space<hbm>>
    %dma_wait3A_72 = tpu.memref_squeeze %dma_wait3A_71 : memref<1x1x1x25x80xi32, #tpu.memory_space<hbm>> -> memref<25x80xi32, #tpu.memory_space<hbm>>
    tpu.wait_dma2 semaphore(%arg10 : memref<!tpu.dma_semaphore, #tpu.memory_space<semaphore_mem>>) src(%dma_wait3A_72 : memref<25x80xi32, #tpu.memory_space<hbm>>) dst(%dma_wait3A_68 : memref<25x80xi32, #tpu.memory_space<vmem>>)
    %barrier3A = arith.constant 0 : index
    tpu.barrier barrier_id(%barrier3A)
    %dma_start3A_73 = arith.constant 0 : i32
    %dma_start3A_74 = arith.constant 0 : i32
    %dma_start3A_75 = arith.constant 0 : i32
    %dma_start3A_76 = arith.constant 0 : i32
    %dma_start3A_77 = arith.constant 0 : i32
    %dma_start3A_78 = tpu.memref_slice %arg8[%dma_start3A_75, %dma_start3A_76, %dma_start3A_77] : memref<8x80x64xf32, #tpu.memory_space<vmem>> -> memref<1x80x64xf32, #tpu.memory_space<vmem>>
    %dma_start3A_79 = tpu.memref_squeeze %dma_start3A_78 : memref<1x80x64xf32, #tpu.memory_space<vmem>> -> memref<80x64xf32, #tpu.memory_space<vmem>>
    %dma_start3A_80 = arith.constant 0 : i32
    %dma_start3A_81 = tpu.memref_slice %arg6[%dma_start3A_73, %dma_start3A_74, %dma_start3A_80] : memref<2x25x80xi32, #tpu.memory_space<vmem>> -> memref<1x1x80xi32, #tpu.memory_space<vmem>>
    %dma_start3A_82 = tpu.memref_squeeze %dma_start3A_81 : memref<1x1x80xi32, #tpu.memory_space<vmem>> -> memref<80xi32, #tpu.memory_space<vmem>>
    %dma_start3A_83 = arith.constant 0 : i32
    %dma_start3A_84 = arith.constant 0 : i32
    %dma_start3A_85 = tpu.memref_slice %arg4[%dma_start3A_83, %dma_start3A_84] : memref<20480x64xf32, #tpu.memory_space<hbm>> -> memref<20480x64xf32, #tpu.memory_space<hbm>>
    tpu.enqueue_indirect_dma source(%dma_start3A_85 : memref<20480x64xf32, #tpu.memory_space<hbm>>) target(%dma_start3A_79 : memref<80x64xf32, #tpu.memory_space<vmem>>) offsets(%dma_start3A_82 : memref<80xi32, #tpu.memory_space<vmem>>) semaphore(%arg11 : memref<!tpu.dma_semaphore, #tpu.memory_space<semaphore_mem>>)
    %dma_start3A_86 = arith.constant 0 : i32
    %dma_start3A_87 = arith.constant 1 : i32
    %dma_start3A_88 = arith.constant 1 : i32
    %dma_start3A_89 = arith.constant 0 : i32
    %dma_start3A_90 = arith.constant 0 : i32
    %dma_start3A_91 = tpu.memref_slice %arg8[%dma_start3A_88, %dma_start3A_89, %dma_start3A_90] : memref<8x80x64xf32, #tpu.memory_space<vmem>> -> memref<1x80x64xf32, #tpu.memory_space<vmem>>
    %dma_start3A_92 = tpu.memref_squeeze %dma_start3A_91 : memref<1x80x64xf32, #tpu.memory_space<vmem>> -> memref<80x64xf32, #tpu.memory_space<vmem>>
    %dma_start3A_93 = arith.constant 0 : i32
    %dma_start3A_94 = tpu.memref_slice %arg6[%dma_start3A_86, %dma_start3A_87, %dma_start3A_93] : memref<2x25x80xi32, #tpu.memory_space<vmem>> -> memref<1x1x80xi32, #tpu.memory_space<vmem>>
    %dma_start3A_95 = tpu.memref_squeeze %dma_start3A_94 : memref<1x1x80xi32, #tpu.memory_space<vmem>> -> memref<80xi32, #tpu.memory_space<vmem>>
    %dma_start3A_96 = arith.constant 0 : i32
    %dma_start3A_97 = arith.constant 0 : i32
    %dma_start3A_98 = tpu.memref_slice %arg4[%dma_start3A_96, %dma_start3A_97] : memref<20480x64xf32, #tpu.memory_space<hbm>> -> memref<20480x64xf32, #tpu.memory_space<hbm>>
    tpu.enqueue_indirect_dma source(%dma_start3A_98 : memref<20480x64xf32, #tpu.memory_space<hbm>>) target(%dma_start3A_92 : memref<80x64xf32, #tpu.memory_space<vmem>>) offsets(%dma_start3A_95 : memref<80xi32, #tpu.memory_space<vmem>>) semaphore(%arg11 : memref<!tpu.dma_semaphore, #tpu.memory_space<semaphore_mem>>)
    %dma_start3A_99 = arith.constant 0 : i32
    %dma_start3A_100 = arith.constant 2 : i32
    %dma_start3A_101 = arith.constant 2 : i32
    %dma_start3A_102 = arith.constant 0 : i32
    %dma_start3A_103 = arith.constant 0 : i32
    %dma_start3A_104 = tpu.memref_slice %arg8[%dma_start3A_101, %dma_start3A_102, %dma_start3A_103] : memref<8x80x64xf32, #tpu.memory_space<vmem>> -> memref<1x80x64xf32, #tpu.memory_space<vmem>>
    %dma_start3A_105 = tpu.memref_squeeze %dma_start3A_104 : memref<1x80x64xf32, #tpu.memory_space<vmem>> -> memref<80x64xf32, #tpu.memory_space<vmem>>
    %dma_start3A_106 = arith.constant 0 : i32
    %dma_start3A_107 = tpu.memref_slice %arg6[%dma_start3A_99, %dma_start3A_100, %dma_start3A_106] : memref<2x25x80xi32, #tpu.memory_space<vmem>> -> memref<1x1x80xi32, #tpu.memory_space<vmem>>
    %dma_start3A_108 = tpu.memref_squeeze %dma_start3A_107 : memref<1x1x80xi32, #tpu.memory_space<vmem>> -> memref<80xi32, #tpu.memory_space<vmem>>
    %dma_start3A_109 = arith.constant 0 : i32
    %dma_start3A_110 = arith.constant 0 : i32
    %dma_start3A_111 = tpu.memref_slice %arg4[%dma_start3A_109, %dma_start3A_110] : memref<20480x64xf32, #tpu.memory_space<hbm>> -> memref<20480x64xf32, #tpu.memory_space<hbm>>
    tpu.enqueue_indirect_dma source(%dma_start3A_111 : memref<20480x64xf32, #tpu.memory_space<hbm>>) target(%dma_start3A_105 : memref<80x64xf32, #tpu.memory_space<vmem>>) offsets(%dma_start3A_108 : memref<80xi32, #tpu.memory_space<vmem>>) semaphore(%arg11 : memref<!tpu.dma_semaphore, #tpu.memory_space<semaphore_mem>>)
    %dma_start3A_112 = arith.constant 0 : i32
    %dma_start3A_113 = arith.constant 3 : i32
    %dma_start3A_114 = arith.constant 3 : i32
    %dma_start3A_115 = arith.constant 0 : i32
    %dma_start3A_116 = arith.constant 0 : i32
    %dma_start3A_117 = tpu.memref_slice %arg8[%dma_start3A_114, %dma_start3A_115, %dma_start3A_116] : memref<8x80x64xf32, #tpu.memory_space<vmem>> -> memref<1x80x64xf32, #tpu.memory_space<vmem>>
    %dma_start3A_118 = tpu.memref_squeeze %dma_start3A_117 : memref<1x80x64xf32, #tpu.memory_space<vmem>> -> memref<80x64xf32, #tpu.memory_space<vmem>>
    %dma_start3A_119 = arith.constant 0 : i32
    %dma_start3A_120 = tpu.memref_slice %arg6[%dma_start3A_112, %dma_start3A_113, %dma_start3A_119] : memref<2x25x80xi32, #tpu.memory_space<vmem>> -> memref<1x1x80xi32, #tpu.memory_space<vmem>>
    %dma_start3A_121 = tpu.memref_squeeze %dma_start3A_120 : memref<1x1x80xi32, #tpu.memory_space<vmem>> -> memref<80xi32, #tpu.memory_space<vmem>>
    %dma_start3A_122 = arith.constant 0 : i32
    %dma_start3A_123 = arith.constant 0 : i32
    %dma_start3A_124 = tpu.memref_slice %arg4[%dma_start3A_122, %dma_start3A_123] : memref<20480x64xf32, #tpu.memory_space<hbm>> -> memref<20480x64xf32, #tpu.memory_space<hbm>>
    tpu.enqueue_indirect_dma source(%dma_start3A_124 : memref<20480x64xf32, #tpu.memory_space<hbm>>) target(%dma_start3A_118 : memref<80x64xf32, #tpu.memory_space<vmem>>) offsets(%dma_start3A_121 : memref<80xi32, #tpu.memory_space<vmem>>) semaphore(%arg11 : memref<!tpu.dma_semaphore, #tpu.memory_space<semaphore_mem>>)
    %dma_start3A_125 = arith.constant 0 : i32
    %dma_start3A_126 = arith.constant 4 : i32
    %dma_start3A_127 = arith.constant 4 : i32
    %dma_start3A_128 = arith.constant 0 : i32
    %dma_start3A_129 = arith.constant 0 : i32
    %dma_start3A_130 = tpu.memref_slice %arg8[%dma_start3A_127, %dma_start3A_128, %dma_start3A_129] : memref<8x80x64xf32, #tpu.memory_space<vmem>> -> memref<1x80x64xf32, #tpu.memory_space<vmem>>
    %dma_start3A_131 = tpu.memref_squeeze %dma_start3A_130 : memref<1x80x64xf32, #tpu.memory_space<vmem>> -> memref<80x64xf32, #tpu.memory_space<vmem>>
    %dma_start3A_132 = arith.constant 0 : i32
    %dma_start3A_133 = tpu.memref_slice %arg6[%dma_start3A_125, %dma_start3A_126, %dma_start3A_132] : memref<2x25x80xi32, #tpu.memory_space<vmem>> -> memref<1x1x80xi32, #tpu.memory_space<vmem>>
    %dma_start3A_134 = tpu.memref_squeeze %dma_start3A_133 : memref<1x1x80xi32, #tpu.memory_space<vmem>> -> memref<80xi32, #tpu.memory_space<vmem>>
    %dma_start3A_135 = arith.constant 0 : i32
    %dma_start3A_136 = arith.constant 0 : i32
    %dma_start3A_137 = tpu.memref_slice %arg4[%dma_start3A_135, %dma_start3A_136] : memref<20480x64xf32, #tpu.memory_space<hbm>> -> memref<20480x64xf32, #tpu.memory_space<hbm>>
    tpu.enqueue_indirect_dma source(%dma_start3A_137 : memref<20480x64xf32, #tpu.memory_space<hbm>>) target(%dma_start3A_131 : memref<80x64xf32, #tpu.memory_space<vmem>>) offsets(%dma_start3A_134 : memref<80xi32, #tpu.memory_space<vmem>>) semaphore(%arg11 : memref<!tpu.dma_semaphore, #tpu.memory_space<semaphore_mem>>)
    %dma_start3A_138 = arith.constant 0 : i32
    %dma_start3A_139 = arith.constant 5 : i32
    %dma_start3A_140 = arith.constant 5 : i32
    %dma_start3A_141 = arith.constant 0 : i32
    %dma_start3A_142 = arith.constant 0 : i32
    %dma_start3A_143 = tpu.memref_slice %arg8[%dma_start3A_140, %dma_start3A_141, %dma_start3A_142] : memref<8x80x64xf32, #tpu.memory_space<vmem>> -> memref<1x80x64xf32, #tpu.memory_space<vmem>>
    %dma_start3A_144 = tpu.memref_squeeze %dma_start3A_143 : memref<1x80x64xf32, #tpu.memory_space<vmem>> -> memref<80x64xf32, #tpu.memory_space<vmem>>
    %dma_start3A_145 = arith.constant 0 : i32
    %dma_start3A_146 = tpu.memref_slice %arg6[%dma_start3A_138, %dma_start3A_139, %dma_start3A_145] : memref<2x25x80xi32, #tpu.memory_space<vmem>> -> memref<1x1x80xi32, #tpu.memory_space<vmem>>
    %dma_start3A_147 = tpu.memref_squeeze %dma_start3A_146 : memref<1x1x80xi32, #tpu.memory_space<vmem>> -> memref<80xi32, #tpu.memory_space<vmem>>
    %dma_start3A_148 = arith.constant 0 : i32
    %dma_start3A_149 = arith.constant 0 : i32
    %dma_start3A_150 = tpu.memref_slice %arg4[%dma_start3A_148, %dma_start3A_149] : memref<20480x64xf32, #tpu.memory_space<hbm>> -> memref<20480x64xf32, #tpu.memory_space<hbm>>
    tpu.enqueue_indirect_dma source(%dma_start3A_150 : memref<20480x64xf32, #tpu.memory_space<hbm>>) target(%dma_start3A_144 : memref<80x64xf32, #tpu.memory_space<vmem>>) offsets(%dma_start3A_147 : memref<80xi32, #tpu.memory_space<vmem>>) semaphore(%arg11 : memref<!tpu.dma_semaphore, #tpu.memory_space<semaphore_mem>>)
    %dma_start3A_151 = arith.constant 0 : i32
    %dma_start3A_152 = arith.constant 6 : i32
    %dma_start3A_153 = arith.constant 6 : i32
    %dma_start3A_154 = arith.constant 0 : i32
    %dma_start3A_155 = arith.constant 0 : i32
    %dma_start3A_156 = tpu.memref_slice %arg8[%dma_start3A_153, %dma_start3A_154, %dma_start3A_155] : memref<8x80x64xf32, #tpu.memory_space<vmem>> -> memref<1x80x64xf32, #tpu.memory_space<vmem>>
    %dma_start3A_157 = tpu.memref_squeeze %dma_start3A_156 : memref<1x80x64xf32, #tpu.memory_space<vmem>> -> memref<80x64xf32, #tpu.memory_space<vmem>>
    %dma_start3A_158 = arith.constant 0 : i32
    %dma_start3A_159 = tpu.memref_slice %arg6[%dma_start3A_151, %dma_start3A_152, %dma_start3A_158] : memref<2x25x80xi32, #tpu.memory_space<vmem>> -> memref<1x1x80xi32, #tpu.memory_space<vmem>>
    %dma_start3A_160 = tpu.memref_squeeze %dma_start3A_159 : memref<1x1x80xi32, #tpu.memory_space<vmem>> -> memref<80xi32, #tpu.memory_space<vmem>>
    %dma_start3A_161 = arith.constant 0 : i32
    %dma_start3A_162 = arith.constant 0 : i32
    %dma_start3A_163 = tpu.memref_slice %arg4[%dma_start3A_161, %dma_start3A_162] : memref<20480x64xf32, #tpu.memory_space<hbm>> -> memref<20480x64xf32, #tpu.memory_space<hbm>>
    tpu.enqueue_indirect_dma source(%dma_start3A_163 : memref<20480x64xf32, #tpu.memory_space<hbm>>) target(%dma_start3A_157 : memref<80x64xf32, #tpu.memory_space<vmem>>) offsets(%dma_start3A_160 : memref<80xi32, #tpu.memory_space<vmem>>) semaphore(%arg11 : memref<!tpu.dma_semaphore, #tpu.memory_space<semaphore_mem>>)
    %scan3A = arith.constant 0 : i32
    %scan3A_164 = arith.constant 0 : i32
    %scan3A_165 = arith.constant 10 : i32
    %scan3A_166 = arith.addi %scan3A_164, %scan3A_165 : i32
    %scan3A_167 = arith.constant 1 : i32
    scf.for %scan3A_183 = %scan3A_164 to %scan3A_166 step %scan3A_167  : i32 {
      %jit3A = arith.constant 2 : i32
      %eq3A = arith.constant 0 : i32
      %eq3A_184 = arith.cmpi eq, %jit3A, %eq3A : i32
      %jit3A_185 = arith.constant 1 : i32
      %select_n3A = arith.select %eq3A_184, %jit3A_185, %jit3A : i32
      %rem3A = arith.remsi %scan3A_183, %select_n3A : i32
      %ne3A = arith.constant 0 : i32
      %ne3A_186 = arith.cmpi ne, %rem3A, %ne3A : i32
      %lt3A = arith.constant 0 : i32
      %lt3A_187 = arith.cmpi slt, %rem3A, %lt3A : i32
      %lt3A_188 = arith.constant 0 : i32
      %lt3A_189 = arith.cmpi slt, %select_n3A, %lt3A_188 : i32
      %ne3A_190 = arith.xori %lt3A_187, %lt3A_189 : i1
      %and3A = arith.andi %ne3A_190, %ne3A_186 : i1
      %add3A_191 = arith.addi %rem3A, %select_n3A : i32
      %select_n3A_192 = arith.select %and3A, %add3A_191, %rem3A : i32
      %add3A_193 = arith.constant 1 : i32
      %add3A_194 = arith.addi %scan3A_183, %add3A_193 : i32
      %jit3A_195 = arith.constant 2 : i32
      %eq3A_196 = arith.constant 0 : i32
      %eq3A_197 = arith.cmpi eq, %jit3A_195, %eq3A_196 : i32
      %jit3A_198 = arith.constant 1 : i32
      %select_n3A_199 = arith.select %eq3A_197, %jit3A_198, %jit3A_195 : i32
      %rem3A_200 = arith.remsi %add3A_194, %select_n3A_199 : i32
      %ne3A_201 = arith.constant 0 : i32
      %ne3A_202 = arith.cmpi ne, %rem3A_200, %ne3A_201 : i32
      %lt3A_203 = arith.constant 0 : i32
      %lt3A_204 = arith.cmpi slt, %rem3A_200, %lt3A_203 : i32
      %lt3A_205 = arith.constant 0 : i32
      %lt3A_206 = arith.cmpi slt, %select_n3A_199, %lt3A_205 : i32
      %ne3A_207 = arith.xori %lt3A_204, %lt3A_206 : i1
      %and3A_208 = arith.andi %ne3A_207, %ne3A_202 : i1
      %add3A_209 = arith.addi %rem3A_200, %select_n3A_199 : i32
      %select_n3A_210 = arith.select %and3A_208, %add3A_209, %rem3A_200 : i32
      %add3A_211 = arith.constant 1 : i32
      %add3A_212 = arith.addi %scan3A_183, %add3A_211 : i32
      %lt3A_213 = arith.constant 10 : i32
      %lt3A_214 = arith.cmpi slt, %add3A_212, %lt3A_213 : i32
      %convert_element_type3A = arith.extui %lt3A_214 : i1 to i32
      %cond3A = arith.constant 0 : i32
      %cond3A_215 = arith.cmpi ne, %convert_element_type3A, %cond3A : i32
      scf.if %cond3A_215 {
        %add3A_222 = arith.constant 1 : i32
        %add3A_223 = arith.addi %scan3A_183, %add3A_222 : i32
        %dma_start3A_224 = arith.constant 0 : i32
        %dma_start3A_225 = arith.constant 0 : i32
        %dma_start3A_226 = tpu.memref_slice %arg6[%select_n3A_210, %dma_start3A_224, %dma_start3A_225] : memref<2x25x80xi32, #tpu.memory_space<vmem>> -> memref<1x25x80xi32, #tpu.memory_space<vmem>>
        %dma_start3A_227 = tpu.memref_squeeze %dma_start3A_226 : memref<1x25x80xi32, #tpu.memory_space<vmem>> -> memref<25x80xi32, #tpu.memory_space<vmem>>
        %dma_start3A_228 = arith.constant 0 : i32
        %dma_start3A_229 = arith.constant 0 : i32
        %dma_start3A_230 = tpu.memref_slice %arg2[%arg0, %arg1, %add3A_223, %dma_start3A_228, %dma_start3A_229] : memref<2x16x10x25x80xi32, #tpu.memory_space<hbm>> -> memref<1x1x1x25x80xi32, #tpu.memory_space<hbm>>
        %dma_start3A_231 = tpu.memref_squeeze %dma_start3A_230 : memref<1x1x1x25x80xi32, #tpu.memory_space<hbm>> -> memref<25x80xi32, #tpu.memory_space<hbm>>
        %dma_start3A_232 = arith.constant 0 : i32
        %dma_start3A_233 = arith.constant 0 : i32
        %dma_start3A_234 = tpu.memref_slice %arg6[%select_n3A_210, %dma_start3A_232, %dma_start3A_233] : memref<2x25x80xi32, #tpu.memory_space<vmem>> -> memref<1x25x80xi32, #tpu.memory_space<vmem>>
        %dma_start3A_235 = tpu.memref_squeeze %dma_start3A_234 : memref<1x25x80xi32, #tpu.memory_space<vmem>> -> memref<25x80xi32, #tpu.memory_space<vmem>>
        %dma_start3A_236 = arith.constant 0 : i32
        %dma_start3A_237 = arith.constant 0 : i32
        %dma_start3A_238 = tpu.memref_slice %arg2[%arg0, %arg1, %add3A_223, %dma_start3A_236, %dma_start3A_237] : memref<2x16x10x25x80xi32, #tpu.memory_space<hbm>> -> memref<1x1x1x25x80xi32, #tpu.memory_space<hbm>>
        %dma_start3A_239 = tpu.memref_squeeze %dma_start3A_238 : memref<1x1x1x25x80xi32, #tpu.memory_space<hbm>> -> memref<25x80xi32, #tpu.memory_space<hbm>>
        tpu.enqueue_dma source(%dma_start3A_239 : memref<25x80xi32, #tpu.memory_space<hbm>>) target(%dma_start3A_235 : memref<25x80xi32, #tpu.memory_space<vmem>>) target_semaphore(%arg10 : memref<!tpu.dma_semaphore, #tpu.memory_space<semaphore_mem>>)
        %add3A_240 = arith.constant 1 : i32
        %add3A_241 = arith.addi %scan3A_183, %add3A_240 : i32
        %dma_start3A_242 = arith.constant 0 : i32
        %dma_start3A_243 = arith.constant 0 : i32
        %dma_start3A_244 = tpu.memref_slice %arg7[%select_n3A_210, %dma_start3A_242, %dma_start3A_243] : memref<2x25x80xi32, #tpu.memory_space<vmem>> -> memref<1x25x80xi32, #tpu.memory_space<vmem>>
        %dma_start3A_245 = tpu.memref_squeeze %dma_start3A_244 : memref<1x25x80xi32, #tpu.memory_space<vmem>> -> memref<25x80xi32, #tpu.memory_space<vmem>>
        %dma_start3A_246 = arith.constant 0 : i32
        %dma_start3A_247 = arith.constant 0 : i32
        %dma_start3A_248 = tpu.memref_slice %arg3[%arg0, %arg1, %add3A_241, %dma_start3A_246, %dma_start3A_247] : memref<2x16x10x25x80xi32, #tpu.memory_space<hbm>> -> memref<1x1x1x25x80xi32, #tpu.memory_space<hbm>>
        %dma_start3A_249 = tpu.memref_squeeze %dma_start3A_248 : memref<1x1x1x25x80xi32, #tpu.memory_space<hbm>> -> memref<25x80xi32, #tpu.memory_space<hbm>>
        %dma_start3A_250 = arith.constant 0 : i32
        %dma_start3A_251 = arith.constant 0 : i32
        %dma_start3A_252 = tpu.memref_slice %arg7[%select_n3A_210, %dma_start3A_250, %dma_start3A_251] : memref<2x25x80xi32, #tpu.memory_space<vmem>> -> memref<1x25x80xi32, #tpu.memory_space<vmem>>
        %dma_start3A_253 = tpu.memref_squeeze %dma_start3A_252 : memref<1x25x80xi32, #tpu.memory_space<vmem>> -> memref<25x80xi32, #tpu.memory_space<vmem>>
        %dma_start3A_254 = arith.constant 0 : i32
        %dma_start3A_255 = arith.constant 0 : i32
        %dma_start3A_256 = tpu.memref_slice %arg3[%arg0, %arg1, %add3A_241, %dma_start3A_254, %dma_start3A_255] : memref<2x16x10x25x80xi32, #tpu.memory_space<hbm>> -> memref<1x1x1x25x80xi32, #tpu.memory_space<hbm>>
        %dma_start3A_257 = tpu.memref_squeeze %dma_start3A_256 : memref<1x1x1x25x80xi32, #tpu.memory_space<hbm>> -> memref<25x80xi32, #tpu.memory_space<hbm>>
        tpu.enqueue_dma source(%dma_start3A_257 : memref<25x80xi32, #tpu.memory_space<hbm>>) target(%dma_start3A_253 : memref<25x80xi32, #tpu.memory_space<vmem>>) target_semaphore(%arg10 : memref<!tpu.dma_semaphore, #tpu.memory_space<semaphore_mem>>)
      } else {
      }
      %scan3A_216 = arith.constant 0 : i32
      %scan3A_217 = arith.constant 0 : i32
      %scan3A_218 = arith.constant 25 : i32
      %scan3A_219 = arith.addi %scan3A_217, %scan3A_218 : i32
      %scan3A_220 = arith.constant 1 : i32
      scf.for %scan3A_222 = %scan3A_217 to %scan3A_219 step %scan3A_220  : i32 {
        %mul3A_223 = arith.constant 25 : i32
        %mul3A_224 = arith.muli %scan3A_183, %mul3A_223 : i32
        %add3A_225 = arith.addi %mul3A_224, %scan3A_222 : i32
        %jit3A_226 = arith.constant 8 : i32
        %eq3A_227 = arith.constant 0 : i32
        %eq3A_228 = arith.cmpi eq, %jit3A_226, %eq3A_227 : i32
        %jit3A_229 = arith.constant 1 : i32
        %select_n3A_230 = arith.select %eq3A_228, %jit3A_229, %jit3A_226 : i32
        %rem3A_231 = arith.remsi %add3A_225, %select_n3A_230 : i32
        %ne3A_232 = arith.constant 0 : i32
        %ne3A_233 = arith.cmpi ne, %rem3A_231, %ne3A_232 : i32
        %lt3A_234 = arith.constant 0 : i32
        %lt3A_235 = arith.cmpi slt, %rem3A_231, %lt3A_234 : i32
        %lt3A_236 = arith.constant 0 : i32
        %lt3A_237 = arith.cmpi slt, %select_n3A_230, %lt3A_236 : i32
        %ne3A_238 = arith.xori %lt3A_235, %lt3A_237 : i1
        %and3A_239 = arith.andi %ne3A_238, %ne3A_233 : i1
        %add3A_240 = arith.addi %rem3A_231, %select_n3A_230 : i32
        %select_n3A_241 = arith.select %and3A_239, %add3A_240, %rem3A_231 : i32
        %add3A_242 = arith.constant 7 : i32
        %add3A_243 = arith.addi %add3A_225, %add3A_242 : i32
        %jit3A_244 = arith.constant 8 : i32
        %eq3A_245 = arith.constant 0 : i32
        %eq3A_246 = arith.cmpi eq, %jit3A_244, %eq3A_245 : i32
        %jit3A_247 = arith.constant 1 : i32
        %select_n3A_248 = arith.select %eq3A_246, %jit3A_247, %jit3A_244 : i32
        %rem3A_249 = arith.remsi %add3A_243, %select_n3A_248 : i32
        %ne3A_250 = arith.constant 0 : i32
        %ne3A_251 = arith.cmpi ne, %rem3A_249, %ne3A_250 : i32
        %lt3A_252 = arith.constant 0 : i32
        %lt3A_253 = arith.cmpi slt, %rem3A_249, %lt3A_252 : i32
        %lt3A_254 = arith.constant 0 : i32
        %lt3A_255 = arith.cmpi slt, %select_n3A_248, %lt3A_254 : i32
        %ne3A_256 = arith.xori %lt3A_253, %lt3A_255 : i1
        %and3A_257 = arith.andi %ne3A_256, %ne3A_251 : i1
        %add3A_258 = arith.addi %rem3A_249, %select_n3A_248 : i32
        %select_n3A_259 = arith.select %and3A_257, %add3A_258, %rem3A_249 : i32
        %ge3A = arith.constant 1 : i32
        %ge3A_260 = arith.cmpi sge, %add3A_225, %ge3A : i32
        %convert_element_type3A_261 = arith.extui %ge3A_260 : i1 to i32
        %cond3A_262 = arith.constant 0 : i32
        %cond3A_263 = arith.cmpi ne, %convert_element_type3A_261, %cond3A_262 : i32
        scf.if %cond3A_263 {
          %dma_wait3A_311 = arith.constant 0 : i32
          %dma_wait3A_312 = arith.constant 0 : i32
          %dma_wait3A_313 = tpu.memref_slice %arg8[%select_n3A_259, %dma_wait3A_311, %dma_wait3A_312] : memref<8x80x64xf32, #tpu.memory_space<vmem>> -> memref<1x80x64xf32, #tpu.memory_space<vmem>>
          %dma_wait3A_314 = tpu.memref_squeeze %dma_wait3A_313 : memref<1x80x64xf32, #tpu.memory_space<vmem>> -> memref<80x64xf32, #tpu.memory_space<vmem>>
          %dma_wait3A_315 = arith.constant 0 : i32
          %dma_wait3A_316 = tpu.memref_slice %arg7[%select_n3A_192, %scan3A_222, %dma_wait3A_315] : memref<2x25x80xi32, #tpu.memory_space<vmem>> -> memref<1x1x80xi32, #tpu.memory_space<vmem>>
          %dma_wait3A_317 = tpu.memref_squeeze %dma_wait3A_316 : memref<1x1x80xi32, #tpu.memory_space<vmem>> -> memref<80xi32, #tpu.memory_space<vmem>>
          %dma_wait3A_318 = arith.constant 0 : i32
          %dma_wait3A_319 = arith.constant 0 : i32
          %dma_wait3A_320 = tpu.memref_slice %arg9[%dma_wait3A_318, %dma_wait3A_319] : memref<10240x64xf32, #tpu.memory_space<vmem_shared>> -> memref<10240x64xf32, #tpu.memory_space<vmem_shared>>
          tpu.wait_indirect_dma semaphore(%arg12 : memref<!tpu.dma_semaphore, #tpu.memory_space<semaphore_mem>>) src(%dma_wait3A_314 : memref<80x64xf32, #tpu.memory_space<vmem>>) dst(%dma_wait3A_320 : memref<10240x64xf32, #tpu.memory_space<vmem_shared>>)
        } else {
        }
        %add3A_264 = arith.constant 7 : i32
        %add3A_265 = arith.addi %scan3A_222, %add3A_264 : i32
        %ge3A_266 = arith.constant 25 : i32
        %ge3A_267 = arith.cmpi sge, %add3A_265, %ge3A_266 : i32
        %add3A_268 = arith.constant 1 : i32
        %add3A_269 = arith.addi %scan3A_183, %add3A_268 : i32
        %lt3A_270 = arith.constant 10 : i32
        %lt3A_271 = arith.cmpi slt, %add3A_269, %lt3A_270 : i32
        %and3A_272 = arith.andi %ge3A_267, %lt3A_271 : i1
        %add3A_273 = arith.constant 7 : i32
        %add3A_274 = arith.addi %scan3A_222, %add3A_273 : i32
        %eq3A_275 = arith.constant 25 : i32
        %eq3A_276 = arith.cmpi eq, %add3A_274, %eq3A_275 : i32
        %and3A_277 = arith.andi %and3A_272, %eq3A_276 : i1
        %convert_element_type3A_278 = arith.extui %and3A_277 : i1 to i32
        %cond3A_279 = arith.constant 0 : i32
        %cond3A_280 = arith.cmpi ne, %convert_element_type3A_278, %cond3A_279 : i32
        scf.if %cond3A_280 {
          %add3A_311 = arith.constant 1 : i32
          %add3A_312 = arith.addi %scan3A_183, %add3A_311 : i32
          %dma_wait3A_313 = arith.constant 0 : i32
          %dma_wait3A_314 = arith.constant 0 : i32
          %dma_wait3A_315 = tpu.memref_slice %arg6[%select_n3A_210, %dma_wait3A_313, %dma_wait3A_314] : memref<2x25x80xi32, #tpu.memory_space<vmem>> -> memref<1x25x80xi32, #tpu.memory_space<vmem>>
          %dma_wait3A_316 = tpu.memref_squeeze %dma_wait3A_315 : memref<1x25x80xi32, #tpu.memory_space<vmem>> -> memref<25x80xi32, #tpu.memory_space<vmem>>
          %dma_wait3A_317 = arith.constant 0 : i32
          %dma_wait3A_318 = arith.constant 0 : i32
          %dma_wait3A_319 = tpu.memref_slice %arg2[%arg0, %arg1, %add3A_312, %dma_wait3A_317, %dma_wait3A_318] : memref<2x16x10x25x80xi32, #tpu.memory_space<hbm>> -> memref<1x1x1x25x80xi32, #tpu.memory_space<hbm>>
          %dma_wait3A_320 = tpu.memref_squeeze %dma_wait3A_319 : memref<1x1x1x25x80xi32, #tpu.memory_space<hbm>> -> memref<25x80xi32, #tpu.memory_space<hbm>>
          %dma_wait3A_321 = arith.constant 0 : i32
          %dma_wait3A_322 = arith.constant 0 : i32
          %dma_wait3A_323 = tpu.memref_slice %arg6[%select_n3A_210, %dma_wait3A_321, %dma_wait3A_322] : memref<2x25x80xi32, #tpu.memory_space<vmem>> -> memref<1x25x80xi32, #tpu.memory_space<vmem>>
          %dma_wait3A_324 = tpu.memref_squeeze %dma_wait3A_323 : memref<1x25x80xi32, #tpu.memory_space<vmem>> -> memref<25x80xi32, #tpu.memory_space<vmem>>
          %dma_wait3A_325 = arith.constant 0 : i32
          %dma_wait3A_326 = arith.constant 0 : i32
          %dma_wait3A_327 = tpu.memref_slice %arg2[%arg0, %arg1, %add3A_312, %dma_wait3A_325, %dma_wait3A_326] : memref<2x16x10x25x80xi32, #tpu.memory_space<hbm>> -> memref<1x1x1x25x80xi32, #tpu.memory_space<hbm>>
          %dma_wait3A_328 = tpu.memref_squeeze %dma_wait3A_327 : memref<1x1x1x25x80xi32, #tpu.memory_space<hbm>> -> memref<25x80xi32, #tpu.memory_space<hbm>>
          tpu.wait_dma2 semaphore(%arg10 : memref<!tpu.dma_semaphore, #tpu.memory_space<semaphore_mem>>) src(%dma_wait3A_328 : memref<25x80xi32, #tpu.memory_space<hbm>>) dst(%dma_wait3A_324 : memref<25x80xi32, #tpu.memory_space<vmem>>)
          %add3A_329 = arith.constant 1 : i32
          %add3A_330 = arith.addi %scan3A_183, %add3A_329 : i32
          %dma_wait3A_331 = arith.constant 0 : i32
          %dma_wait3A_332 = arith.constant 0 : i32
          %dma_wait3A_333 = tpu.memref_slice %arg7[%select_n3A_210, %dma_wait3A_331, %dma_wait3A_332] : memref<2x25x80xi32, #tpu.memory_space<vmem>> -> memref<1x25x80xi32, #tpu.memory_space<vmem>>
          %dma_wait3A_334 = tpu.memref_squeeze %dma_wait3A_333 : memref<1x25x80xi32, #tpu.memory_space<vmem>> -> memref<25x80xi32, #tpu.memory_space<vmem>>
          %dma_wait3A_335 = arith.constant 0 : i32
          %dma_wait3A_336 = arith.constant 0 : i32
          %dma_wait3A_337 = tpu.memref_slice %arg3[%arg0, %arg1, %add3A_330, %dma_wait3A_335, %dma_wait3A_336] : memref<2x16x10x25x80xi32, #tpu.memory_space<hbm>> -> memref<1x1x1x25x80xi32, #tpu.memory_space<hbm>>
          %dma_wait3A_338 = tpu.memref_squeeze %dma_wait3A_337 : memref<1x1x1x25x80xi32, #tpu.memory_space<hbm>> -> memref<25x80xi32, #tpu.memory_space<hbm>>
          %dma_wait3A_339 = arith.constant 0 : i32
          %dma_wait3A_340 = arith.constant 0 : i32
          %dma_wait3A_341 = tpu.memref_slice %arg7[%select_n3A_210, %dma_wait3A_339, %dma_wait3A_340] : memref<2x25x80xi32, #tpu.memory_space<vmem>> -> memref<1x25x80xi32, #tpu.memory_space<vmem>>
          %dma_wait3A_342 = tpu.memref_squeeze %dma_wait3A_341 : memref<1x25x80xi32, #tpu.memory_space<vmem>> -> memref<25x80xi32, #tpu.memory_space<vmem>>
          %dma_wait3A_343 = arith.constant 0 : i32
          %dma_wait3A_344 = arith.constant 0 : i32
          %dma_wait3A_345 = tpu.memref_slice %arg3[%arg0, %arg1, %add3A_330, %dma_wait3A_343, %dma_wait3A_344] : memref<2x16x10x25x80xi32, #tpu.memory_space<hbm>> -> memref<1x1x1x25x80xi32, #tpu.memory_space<hbm>>
          %dma_wait3A_346 = tpu.memref_squeeze %dma_wait3A_345 : memref<1x1x1x25x80xi32, #tpu.memory_space<hbm>> -> memref<25x80xi32, #tpu.memory_space<hbm>>
          tpu.wait_dma2 semaphore(%arg10 : memref<!tpu.dma_semaphore, #tpu.memory_space<semaphore_mem>>) src(%dma_wait3A_346 : memref<25x80xi32, #tpu.memory_space<hbm>>) dst(%dma_wait3A_342 : memref<25x80xi32, #tpu.memory_space<vmem>>)
        } else {
        }
        %add3A_281 = arith.constant 7 : i32
        %add3A_282 = arith.addi %scan3A_222, %add3A_281 : i32
        %lt3A_283 = arith.constant 25 : i32
        %lt3A_284 = arith.cmpi slt, %add3A_282, %lt3A_283 : i32
        %convert_element_type3A_285 = arith.extui %lt3A_284 : i1 to i32
        %cond3A_286 = arith.constant 0 : i32
        %cond3A_287 = arith.cmpi ne, %convert_element_type3A_285, %cond3A_286 : i32
        scf.if %cond3A_287 {
          %add3A_311 = arith.constant 7 : i32
          %add3A_312 = arith.addi %scan3A_222, %add3A_311 : i32
          %dma_start3A_313 = arith.constant 0 : i32
          %dma_start3A_314 = arith.constant 0 : i32
          %dma_start3A_315 = tpu.memref_slice %arg8[%select_n3A_259, %dma_start3A_313, %dma_start3A_314] : memref<8x80x64xf32, #tpu.memory_space<vmem>> -> memref<1x80x64xf32, #tpu.memory_space<vmem>>
          %dma_start3A_316 = tpu.memref_squeeze %dma_start3A_315 : memref<1x80x64xf32, #tpu.memory_space<vmem>> -> memref<80x64xf32, #tpu.memory_space<vmem>>
          %dma_start3A_317 = arith.constant 0 : i32
          %dma_start3A_318 = tpu.memref_slice %arg6[%select_n3A_192, %add3A_312, %dma_start3A_317] : memref<2x25x80xi32, #tpu.memory_space<vmem>> -> memref<1x1x80xi32, #tpu.memory_space<vmem>>
          %dma_start3A_319 = tpu.memref_squeeze %dma_start3A_318 : memref<1x1x80xi32, #tpu.memory_space<vmem>> -> memref<80xi32, #tpu.memory_space<vmem>>
          %dma_start3A_320 = arith.constant 0 : i32
          %dma_start3A_321 = arith.constant 0 : i32
          %dma_start3A_322 = tpu.memref_slice %arg4[%dma_start3A_320, %dma_start3A_321] : memref<20480x64xf32, #tpu.memory_space<hbm>> -> memref<20480x64xf32, #tpu.memory_space<hbm>>
          tpu.enqueue_indirect_dma source(%dma_start3A_322 : memref<20480x64xf32, #tpu.memory_space<hbm>>) target(%dma_start3A_316 : memref<80x64xf32, #tpu.memory_space<vmem>>) offsets(%dma_start3A_319 : memref<80xi32, #tpu.memory_space<vmem>>) semaphore(%arg11 : memref<!tpu.dma_semaphore, #tpu.memory_space<semaphore_mem>>)
        } else {
        }
        %convert_element_type3A_288 = arith.extui %and3A_272 : i1 to i32
        %cond3A_289 = arith.constant 0 : i32
        %cond3A_290 = arith.cmpi ne, %convert_element_type3A_288, %cond3A_289 : i32
        scf.if %cond3A_290 {
          %add3A_311 = arith.constant 7 : i32
          %add3A_312 = arith.addi %scan3A_222, %add3A_311 : i32
          %sub3A = arith.constant 25 : i32
          %sub3A_313 = arith.subi %add3A_312, %sub3A : i32
          %dma_start3A_314 = arith.constant 0 : i32
          %dma_start3A_315 = arith.constant 0 : i32
          %dma_start3A_316 = tpu.memref_slice %arg8[%select_n3A_259, %dma_start3A_314, %dma_start3A_315] : memref<8x80x64xf32, #tpu.memory_space<vmem>> -> memref<1x80x64xf32, #tpu.memory_space<vmem>>
          %dma_start3A_317 = tpu.memref_squeeze %dma_start3A_316 : memref<1x80x64xf32, #tpu.memory_space<vmem>> -> memref<80x64xf32, #tpu.memory_space<vmem>>
          %dma_start3A_318 = arith.constant 0 : i32
          %dma_start3A_319 = tpu.memref_slice %arg6[%select_n3A_210, %sub3A_313, %dma_start3A_318] : memref<2x25x80xi32, #tpu.memory_space<vmem>> -> memref<1x1x80xi32, #tpu.memory_space<vmem>>
          %dma_start3A_320 = tpu.memref_squeeze %dma_start3A_319 : memref<1x1x80xi32, #tpu.memory_space<vmem>> -> memref<80xi32, #tpu.memory_space<vmem>>
          %dma_start3A_321 = arith.constant 0 : i32
          %dma_start3A_322 = arith.constant 0 : i32
          %dma_start3A_323 = tpu.memref_slice %arg4[%dma_start3A_321, %dma_start3A_322] : memref<20480x64xf32, #tpu.memory_space<hbm>> -> memref<20480x64xf32, #tpu.memory_space<hbm>>
          tpu.enqueue_indirect_dma source(%dma_start3A_323 : memref<20480x64xf32, #tpu.memory_space<hbm>>) target(%dma_start3A_317 : memref<80x64xf32, #tpu.memory_space<vmem>>) offsets(%dma_start3A_320 : memref<80xi32, #tpu.memory_space<vmem>>) semaphore(%arg11 : memref<!tpu.dma_semaphore, #tpu.memory_space<semaphore_mem>>)
        } else {
        }
        %dma_wait3A_291 = arith.constant 0 : i32
        %dma_wait3A_292 = arith.constant 0 : i32
        %dma_wait3A_293 = tpu.memref_slice %arg8[%select_n3A_241, %dma_wait3A_291, %dma_wait3A_292] : memref<8x80x64xf32, #tpu.memory_space<vmem>> -> memref<1x80x64xf32, #tpu.memory_space<vmem>>
        %dma_wait3A_294 = tpu.memref_squeeze %dma_wait3A_293 : memref<1x80x64xf32, #tpu.memory_space<vmem>> -> memref<80x64xf32, #tpu.memory_space<vmem>>
        %dma_wait3A_295 = arith.constant 0 : i32
        %dma_wait3A_296 = tpu.memref_slice %arg6[%select_n3A_192, %scan3A_222, %dma_wait3A_295] : memref<2x25x80xi32, #tpu.memory_space<vmem>> -> memref<1x1x80xi32, #tpu.memory_space<vmem>>
        %dma_wait3A_297 = tpu.memref_squeeze %dma_wait3A_296 : memref<1x1x80xi32, #tpu.memory_space<vmem>> -> memref<80xi32, #tpu.memory_space<vmem>>
        %dma_wait3A_298 = arith.constant 0 : i32
        %dma_wait3A_299 = arith.constant 0 : i32
        %dma_wait3A_300 = tpu.memref_slice %arg4[%dma_wait3A_298, %dma_wait3A_299] : memref<20480x64xf32, #tpu.memory_space<hbm>> -> memref<20480x64xf32, #tpu.memory_space<hbm>>
        tpu.wait_indirect_dma semaphore(%arg11 : memref<!tpu.dma_semaphore, #tpu.memory_space<semaphore_mem>>) src(%dma_wait3A_300 : memref<20480x64xf32, #tpu.memory_space<hbm>>) dst(%dma_wait3A_294 : memref<80x64xf32, #tpu.memory_space<vmem>>)
        %dma_start3A_301 = arith.constant 0 : i32
        %dma_start3A_302 = arith.constant 0 : i32
        %dma_start3A_303 = tpu.memref_slice %arg8[%select_n3A_241, %dma_start3A_301, %dma_start3A_302] : memref<8x80x64xf32, #tpu.memory_space<vmem>> -> memref<1x80x64xf32, #tpu.memory_space<vmem>>
        %dma_start3A_304 = tpu.memref_squeeze %dma_start3A_303 : memref<1x80x64xf32, #tpu.memory_space<vmem>> -> memref<80x64xf32, #tpu.memory_space<vmem>>
        %dma_start3A_305 = arith.constant 0 : i32
        %dma_start3A_306 = tpu.memref_slice %arg7[%select_n3A_192, %scan3A_222, %dma_start3A_305] : memref<2x25x80xi32, #tpu.memory_space<vmem>> -> memref<1x1x80xi32, #tpu.memory_space<vmem>>
        %dma_start3A_307 = tpu.memref_squeeze %dma_start3A_306 : memref<1x1x80xi32, #tpu.memory_space<vmem>> -> memref<80xi32, #tpu.memory_space<vmem>>
        %dma_start3A_308 = arith.constant 0 : i32
        %dma_start3A_309 = arith.constant 0 : i32
        %dma_start3A_310 = tpu.memref_slice %arg9[%dma_start3A_308, %dma_start3A_309] : memref<10240x64xf32, #tpu.memory_space<vmem_shared>> -> memref<10240x64xf32, #tpu.memory_space<vmem_shared>>
        tpu.enqueue_indirect_dma source(%dma_start3A_304 : memref<80x64xf32, #tpu.memory_space<vmem>>) target(%dma_start3A_310 : memref<10240x64xf32, #tpu.memory_space<vmem_shared>>) offsets(%dma_start3A_307 : memref<80xi32, #tpu.memory_space<vmem>>) semaphore(%arg12 : memref<!tpu.dma_semaphore, #tpu.memory_space<semaphore_mem>>) {add = true}
      }
      %scan3A_221 = arith.constant 25 : i32
    }
    %scan3A_168 = arith.constant 10 : i32
    %dma_wait3A_169 = arith.constant 1 : i32
    %dma_wait3A_170 = arith.constant 1 : i32
    %dma_wait3A_171 = arith.constant 24 : i32
    %dma_wait3A_172 = arith.constant 0 : i32
    %dma_wait3A_173 = arith.constant 0 : i32
    %dma_wait3A_174 = tpu.memref_slice %arg8[%dma_wait3A_169, %dma_wait3A_172, %dma_wait3A_173] : memref<8x80x64xf32, #tpu.memory_space<vmem>> -> memref<1x80x64xf32, #tpu.memory_space<vmem>>
    %dma_wait3A_175 = tpu.memref_squeeze %dma_wait3A_174 : memref<1x80x64xf32, #tpu.memory_space<vmem>> -> memref<80x64xf32, #tpu.memory_space<vmem>>
    %dma_wait3A_176 = arith.constant 0 : i32
    %dma_wait3A_177 = tpu.memref_slice %arg7[%dma_wait3A_170, %dma_wait3A_171, %dma_wait3A_176] : memref<2x25x80xi32, #tpu.memory_space<vmem>> -> memref<1x1x80xi32, #tpu.memory_space<vmem>>
    %dma_wait3A_178 = tpu.memref_squeeze %dma_wait3A_177 : memref<1x1x80xi32, #tpu.memory_space<vmem>> -> memref<80xi32, #tpu.memory_space<vmem>>
    %dma_wait3A_179 = arith.constant 0 : i32
    %dma_wait3A_180 = arith.constant 0 : i32
    %dma_wait3A_181 = tpu.memref_slice %arg9[%dma_wait3A_179, %dma_wait3A_180] : memref<10240x64xf32, #tpu.memory_space<vmem_shared>> -> memref<10240x64xf32, #tpu.memory_space<vmem_shared>>
    tpu.wait_indirect_dma semaphore(%arg12 : memref<!tpu.dma_semaphore, #tpu.memory_space<semaphore_mem>>) src(%dma_wait3A_175 : memref<80x64xf32, #tpu.memory_space<vmem>>) dst(%dma_wait3A_181 : memref<10240x64xf32, #tpu.memory_space<vmem_shared>>)
    %barrier3A_182 = arith.constant 0 : index
    tpu.barrier barrier_id(%barrier3A_182)
    "tpu.region"() ({
      %run_scoped3A = tpu.sem_alloc : memref<!tpu.dma_semaphore, #tpu.memory_space<semaphore_mem>>
      %dma_start3A_183 = arith.constant 0 : i32
      %dma_start3A_184 = tpu.memref_slice %arg5[%arg0, %mul3A_0, %dma_start3A_183] : memref<2x10240x64xf32, #tpu.memory_space<hbm>> -> memref<1x640x64xf32, #tpu.memory_space<hbm>>
      %dma_start3A_185 = tpu.memref_squeeze %dma_start3A_184 : memref<1x640x64xf32, #tpu.memory_space<hbm>> -> memref<640x64xf32, #tpu.memory_space<hbm>>
      %dma_start3A_186 = arith.constant 0 : i32
      %dma_start3A_187 = tpu.memref_slice %arg9[%mul3A_0, %dma_start3A_186] : memref<10240x64xf32, #tpu.memory_space<vmem_shared>> -> memref<640x64xf32, #tpu.memory_space<vmem_shared>>
      tpu.enqueue_dma source(%dma_start3A_187 : memref<640x64xf32, #tpu.memory_space<vmem_shared>>) target(%dma_start3A_185 : memref<640x64xf32, #tpu.memory_space<hbm>>) target_semaphore(%run_scoped3A : memref<!tpu.dma_semaphore, #tpu.memory_space<semaphore_mem>>)
      %dma_wait3A_188 = arith.constant 0 : i32
      %dma_wait3A_189 = tpu.memref_slice %arg5[%arg0, %mul3A_0, %dma_wait3A_188] : memref<2x10240x64xf32, #tpu.memory_space<hbm>> -> memref<1x640x64xf32, #tpu.memory_space<hbm>>
      %dma_wait3A_190 = tpu.memref_squeeze %dma_wait3A_189 : memref<1x640x64xf32, #tpu.memory_space<hbm>> -> memref<640x64xf32, #tpu.memory_space<hbm>>
      %dma_wait3A_191 = arith.constant 0 : i32
      %dma_wait3A_192 = tpu.memref_slice %arg9[%mul3A_0, %dma_wait3A_191] : memref<10240x64xf32, #tpu.memory_space<vmem_shared>> -> memref<640x64xf32, #tpu.memory_space<vmem_shared>>
      tpu.wait_dma2 semaphore(%run_scoped3A : memref<!tpu.dma_semaphore, #tpu.memory_space<semaphore_mem>>) src(%dma_wait3A_192 : memref<640x64xf32, #tpu.memory_space<vmem_shared>>) dst(%dma_wait3A_190 : memref<640x64xf32, #tpu.memory_space<hbm>>)
      tpu.yield
    }) : () -> ()
    return
  }
}

module attributes {stable_mosaic.version = 14 : i64} {
  func.func @_tc_pre(%arg0: i32, %arg1: i32, %arg2: memref<1x1280x128xf32, #tpu.memory_space<vmem>>, %arg3: memref<1x1280x16xf32, #tpu.memory_space<vmem>>, %arg4: memref<1x128x64xf32, #tpu.memory_space<vmem>>, %arg5: memref<1x1280x64xf32, #tpu.memory_space<vmem>>) attributes {dimension_semantics = [#tpu.dimension_semantics<arbitrary>, #tpu.dimension_semantics<arbitrary>], iteration_bounds = array<i64: 2, 8>, scalar_prefetch = 0 : i64, scratch_operands = 0 : i64, tpu.core_type = #tpu.core_type<tc>, window_params = [{transform_indices = @transform_0, window_bounds = array<i64: 1, 1280, 128>}, {transform_indices = @transform_1, window_bounds = array<i64: 1, 1280, 16>}, {transform_indices = @transform_2, window_bounds = array<i64: 1, 128, 64>}, {transform_indices = @transform_3, window_bounds = array<i64: 1, 1280, 64>}]} {
    %get3A = arith.constant 0 : index
    %get3A_0 = arith.constant 0 : index
    %get3A_1 = arith.constant 0 : index
    %get3A_2 = vector.load %arg3[%get3A, %get3A_0, %get3A_1] : memref<1x1280x16xf32, #tpu.memory_space<vmem>>, vector<1x1280x16xf32>
    %get3A_3 = vector.shape_cast %get3A_2 : vector<1x1280x16xf32> to vector<1280x16xf32>
    %slice3A = vector.extract_strided_slice %get3A_3 {offsets = [0, 0], sizes = [1280, 1], strides = [1, 1]} : vector<1280x16xf32> to vector<1280x1xf32>
    %add3A = arith.constant 1.000000e+00 : f32
    %add3A_4 = vector.broadcast %add3A : f32 to vector<1280x1xf32>
    %add3A_5 = arith.addf %slice3A, %add3A_4 : vector<1280x1xf32>
    %rsqrt3A = math.rsqrt %add3A_5 : vector<1280x1xf32>
    %get3A_6 = arith.constant 0 : index
    %get3A_7 = arith.constant 0 : index
    %get3A_8 = arith.constant 0 : index
    %get3A_9 = vector.load %arg2[%get3A_6, %get3A_7, %get3A_8] : memref<1x1280x128xf32, #tpu.memory_space<vmem>>, vector<1x1280x128xf32>
    %get3A_10 = vector.shape_cast %get3A_9 : vector<1x1280x128xf32> to vector<1280x128xf32>
    %get3A_11 = arith.constant 0 : index
    %get3A_12 = arith.constant 0 : index
    %get3A_13 = arith.constant 0 : index
    %get3A_14 = vector.load %arg4[%get3A_11, %get3A_12, %get3A_13] : memref<1x128x64xf32, #tpu.memory_space<vmem>>, vector<1x128x64xf32>
    %get3A_15 = vector.shape_cast %get3A_14 : vector<1x128x64xf32> to vector<128x64xf32>
    %dot_general3A = arith.constant dense<0.000000e+00> : vector<1280x64xf32>
    %dot_general3A_16 = tpu.matmul %get3A_10, %get3A_15, %dot_general3A {dimension_numbers = #tpu.dot_dimension_numbers<[1], [0], [0], [1], [0, 0, 1, 1], [], []>, transpose_lhs_hint = false} : vector<1280x128xf32>, vector<128x64xf32>, vector<1280x64xf32> -> vector<1280x64xf32>
    %mul3A = vector.broadcast %rsqrt3A : vector<1280x1xf32> to vector<1280x64xf32>
    %mul3A_17 = arith.mulf %mul3A, %dot_general3A_16 : vector<1280x64xf32>
    %swap3A = arith.constant 0 : index
    %swap3A_18 = arith.constant 0 : index
    %swap3A_19 = arith.constant 0 : index
    %swap3A_20 = vector.load %arg5[%swap3A, %swap3A_18, %swap3A_19] : memref<1x1280x64xf32, #tpu.memory_space<vmem>>, vector<1x1280x64xf32>
    %swap3A_21 = vector.shape_cast %swap3A_20 : vector<1x1280x64xf32> to vector<1280x64xf32>
    %swap3A_22 = vector.shape_cast %mul3A_17 : vector<1280x64xf32> to vector<1x1280x64xf32>
    tpu.vector_store %arg5[%swap3A, %swap3A_18, %swap3A_19], %swap3A_22 {strides = array<i32>} : memref<1x1280x64xf32, #tpu.memory_space<vmem>>, vector<1x1280x64xf32>,
    return
  }
  func.func @transform_0(%arg0: i32, %arg1: i32) -> (i32, i32, i32) {
    %c0_i32 = arith.constant 0 : i32
    %c0_i32_0 = arith.constant 0 : i32
    return %arg0, %arg1, %c0_i32 : i32, i32, i32
  }
  func.func @transform_1(%arg0: i32, %arg1: i32) -> (i32, i32, i32) {
    %c0_i32 = arith.constant 0 : i32
    %c0_i32_0 = arith.constant 0 : i32
    return %arg0, %arg1, %c0_i32 : i32, i32, i32
  }
  func.func @transform_2(%arg0: i32, %arg1: i32) -> (i32, i32, i32) {
    %c0_i32 = arith.constant 0 : i32
    %c0_i32_0 = arith.constant 0 : i32
    %c0_i32_1 = arith.constant 0 : i32
    return %arg0, %c0_i32, %c0_i32_0 : i32, i32, i32
  }
  func.func @transform_3(%arg0: i32, %arg1: i32) -> (i32, i32, i32) {
    %c0_i32 = arith.constant 0 : i32
    %c0_i32_0 = arith.constant 0 : i32
    return %arg0, %arg1, %c0_i32 : i32, i32, i32
  }
}

module attributes {stable_mosaic.version = 14 : i64} {
  func.func @_tc_mid(%arg0: i32, %arg1: i32, %arg2: memref<1x1280x64xf32, #tpu.memory_space<vmem>>, %arg3: memref<1x1280x16xf32, #tpu.memory_space<vmem>>, %arg4: memref<1x1x64xf32, #tpu.memory_space<vmem>>, %arg5: memref<1x64x128xf32, #tpu.memory_space<vmem>>, %arg6: memref<1x1280x128xf32, #tpu.memory_space<vmem>>) attributes {dimension_semantics = [#tpu.dimension_semantics<arbitrary>, #tpu.dimension_semantics<arbitrary>], iteration_bounds = array<i64: 2, 8>, scalar_prefetch = 0 : i64, scratch_operands = 0 : i64, tpu.core_type = #tpu.core_type<tc>, window_params = [{transform_indices = @transform_0, window_bounds = array<i64: 1, 1280, 64>}, {transform_indices = @transform_1, window_bounds = array<i64: 1, 1280, 16>}, {transform_indices = @transform_2, window_bounds = array<i64: 1, 1, 64>}, {transform_indices = @transform_3, window_bounds = array<i64: 1, 64, 128>}, {transform_indices = @transform_4, window_bounds = array<i64: 1, 1280, 128>}]} {
    %get3A = arith.constant 0 : index
    %get3A_0 = arith.constant 0 : index
    %get3A_1 = arith.constant 0 : index
    %get3A_2 = vector.load %arg3[%get3A, %get3A_0, %get3A_1] : memref<1x1280x16xf32, #tpu.memory_space<vmem>>, vector<1x1280x16xf32>
    %get3A_3 = vector.shape_cast %get3A_2 : vector<1x1280x16xf32> to vector<1280x16xf32>
    %slice3A = vector.extract_strided_slice %get3A_3 {offsets = [0, 0], sizes = [1280, 1], strides = [1, 1]} : vector<1280x16xf32> to vector<1280x1xf32>
    %add3A = arith.constant 1.000000e+00 : f32
    %add3A_4 = vector.broadcast %add3A : f32 to vector<1280x1xf32>
    %add3A_5 = arith.addf %slice3A, %add3A_4 : vector<1280x1xf32>
    %rsqrt3A = math.rsqrt %add3A_5 : vector<1280x1xf32>
    %get3A_6 = arith.constant 0 : index
    %get3A_7 = arith.constant 0 : index
    %get3A_8 = arith.constant 0 : index
    %get3A_9 = vector.load %arg2[%get3A_6, %get3A_7, %get3A_8] : memref<1x1280x64xf32, #tpu.memory_space<vmem>>, vector<1x1280x64xf32>
    %get3A_10 = vector.shape_cast %get3A_9 : vector<1x1280x64xf32> to vector<1280x64xf32>
    %mul3A = vector.broadcast %rsqrt3A : vector<1280x1xf32> to vector<1280x64xf32>
    %mul3A_11 = arith.mulf %mul3A, %get3A_10 : vector<1280x64xf32>
    %get3A_12 = arith.constant 0 : index
    %get3A_13 = arith.constant 0 : index
    %get3A_14 = arith.constant 0 : index
    %get3A_15 = vector.load %arg4[%get3A_12, %get3A_13, %get3A_14] : memref<1x1x64xf32, #tpu.memory_space<vmem>>, vector<1x1x64xf32>
    %get3A_16 = vector.shape_cast %get3A_15 : vector<1x1x64xf32> to vector<64xf32>
    %broadcast_in_dim3A = vector.shape_cast %get3A_16 : vector<64xf32> to vector<1x64xf32>
    %add3A_17 = vector.broadcast %broadcast_in_dim3A : vector<1x64xf32> to vector<1280x64xf32>
    %add3A_18 = arith.addf %mul3A_11, %add3A_17 : vector<1280x64xf32>
    %gt3A = arith.constant 0.000000e+00 : f32
    %gt3A_19 = vector.broadcast %gt3A : f32 to vector<1280x64xf32>
    %gt3A_20 = arith.cmpf ogt, %add3A_18, %gt3A_19 : vector<1280x64xf32>
    %exp3A = math.exp %add3A_18 : vector<1280x64xf32>
    %sub3A = arith.constant 1.000000e+00 : f32
    %sub3A_21 = vector.broadcast %sub3A : f32 to vector<1280x64xf32>
    %sub3A_22 = arith.subf %exp3A, %sub3A_21 : vector<1280x64xf32>
    %select_n3A = arith.select %gt3A_20, %add3A_18, %sub3A_22 : vector<1280x64xi1>, vector<1280x64xf32>
    %get3A_23 = arith.constant 0 : index
    %get3A_24 = arith.constant 0 : index
    %get3A_25 = arith.constant 0 : index
    %get3A_26 = vector.load %arg5[%get3A_23, %get3A_24, %get3A_25] : memref<1x64x128xf32, #tpu.memory_space<vmem>>, vector<1x64x128xf32>
    %get3A_27 = vector.shape_cast %get3A_26 : vector<1x64x128xf32> to vector<64x128xf32>
    %dot_general3A = arith.constant dense<0.000000e+00> : vector<1280x128xf32>
    %dot_general3A_28 = tpu.matmul %select_n3A, %get3A_27, %dot_general3A {dimension_numbers = #tpu.dot_dimension_numbers<[1], [0], [0], [1], [0, 0, 1, 1], [], []>, transpose_lhs_hint = false} : vector<1280x64xf32>, vector<64x128xf32>, vector<1280x128xf32> -> vector<1280x128xf32>
    %mul3A_29 = vector.broadcast %rsqrt3A : vector<1280x1xf32> to vector<1280x128xf32>
    %mul3A_30 = arith.mulf %mul3A_29, %dot_general3A_28 : vector<1280x128xf32>
    %swap3A = arith.constant 0 : index
    %swap3A_31 = arith.constant 0 : index
    %swap3A_32 = arith.constant 0 : index
    %swap3A_33 = vector.load %arg6[%swap3A, %swap3A_31, %swap3A_32] : memref<1x1280x128xf32, #tpu.memory_space<vmem>>, vector<1x1280x128xf32>
    %swap3A_34 = vector.shape_cast %swap3A_33 : vector<1x1280x128xf32> to vector<1280x128xf32>
    %swap3A_35 = vector.shape_cast %mul3A_30 : vector<1280x128xf32> to vector<1x1280x128xf32>
    tpu.vector_store %arg6[%swap3A, %swap3A_31, %swap3A_32], %swap3A_35 {strides = array<i32>} : memref<1x1280x128xf32, #tpu.memory_space<vmem>>, vector<1x1280x128xf32>,
    return
  }
  func.func @transform_0(%arg0: i32, %arg1: i32) -> (i32, i32, i32) {
    %c0_i32 = arith.constant 0 : i32
    %c0_i32_0 = arith.constant 0 : i32
    return %arg0, %arg1, %c0_i32 : i32, i32, i32
  }
  func.func @transform_1(%arg0: i32, %arg1: i32) -> (i32, i32, i32) {
    %c0_i32 = arith.constant 0 : i32
    %c0_i32_0 = arith.constant 0 : i32
    return %arg0, %arg1, %c0_i32 : i32, i32, i32
  }
  func.func @transform_2(%arg0: i32, %arg1: i32) -> (i32, i32, i32) {
    %c0_i32 = arith.constant 0 : i32
    %c0_i32_0 = arith.constant 0 : i32
    %c0_i32_1 = arith.constant 0 : i32
    return %arg0, %c0_i32, %c0_i32_0 : i32, i32, i32
  }
  func.func @transform_3(%arg0: i32, %arg1: i32) -> (i32, i32, i32) {
    %c0_i32 = arith.constant 0 : i32
    %c0_i32_0 = arith.constant 0 : i32
    %c0_i32_1 = arith.constant 0 : i32
    return %arg0, %c0_i32, %c0_i32_0 : i32, i32, i32
  }
  func.func @transform_4(%arg0: i32, %arg1: i32) -> (i32, i32, i32) {
    %c0_i32 = arith.constant 0 : i32
    %c0_i32_0 = arith.constant 0 : i32
    return %arg0, %arg1, %c0_i32 : i32, i32, i32
  }
}

module attributes {stable_mosaic.version = 14 : i64} {
  func.func @_tc_post(%arg0: i32, %arg1: i32, %arg2: memref<1x1280x128xf32, #tpu.memory_space<vmem>>, %arg3: memref<1x1280x16xf32, #tpu.memory_space<vmem>>, %arg4: memref<1x1x128xf32, #tpu.memory_space<vmem>>, %arg5: memref<1x1280x128xf32, #tpu.memory_space<vmem>>) attributes {dimension_semantics = [#tpu.dimension_semantics<arbitrary>, #tpu.dimension_semantics<arbitrary>], iteration_bounds = array<i64: 2, 8>, scalar_prefetch = 0 : i64, scratch_operands = 0 : i64, tpu.core_type = #tpu.core_type<tc>, window_params = [{transform_indices = @transform_0, window_bounds = array<i64: 1, 1280, 128>}, {transform_indices = @transform_1, window_bounds = array<i64: 1, 1280, 16>}, {transform_indices = @transform_2, window_bounds = array<i64: 1, 1, 128>}, {transform_indices = @transform_3, window_bounds = array<i64: 1, 1280, 128>}]} {
    %get3A = arith.constant 0 : index
    %get3A_0 = arith.constant 0 : index
    %get3A_1 = arith.constant 0 : index
    %get3A_2 = vector.load %arg3[%get3A, %get3A_0, %get3A_1] : memref<1x1280x16xf32, #tpu.memory_space<vmem>>, vector<1x1280x16xf32>
    %get3A_3 = vector.shape_cast %get3A_2 : vector<1x1280x16xf32> to vector<1280x16xf32>
    %slice3A = vector.extract_strided_slice %get3A_3 {offsets = [0, 0], sizes = [1280, 1], strides = [1, 1]} : vector<1280x16xf32> to vector<1280x1xf32>
    %add3A = arith.constant 1.000000e+00 : f32
    %add3A_4 = vector.broadcast %add3A : f32 to vector<1280x1xf32>
    %add3A_5 = arith.addf %slice3A, %add3A_4 : vector<1280x1xf32>
    %rsqrt3A = math.rsqrt %add3A_5 : vector<1280x1xf32>
    %get3A_6 = arith.constant 0 : index
    %get3A_7 = arith.constant 0 : index
    %get3A_8 = arith.constant 0 : index
    %get3A_9 = vector.load %arg2[%get3A_6, %get3A_7, %get3A_8] : memref<1x1280x128xf32, #tpu.memory_space<vmem>>, vector<1x1280x128xf32>
    %get3A_10 = vector.shape_cast %get3A_9 : vector<1x1280x128xf32> to vector<1280x128xf32>
    %mul3A = vector.broadcast %rsqrt3A : vector<1280x1xf32> to vector<1280x128xf32>
    %mul3A_11 = arith.mulf %mul3A, %get3A_10 : vector<1280x128xf32>
    %get3A_12 = arith.constant 0 : index
    %get3A_13 = arith.constant 0 : index
    %get3A_14 = arith.constant 0 : index
    %get3A_15 = vector.load %arg4[%get3A_12, %get3A_13, %get3A_14] : memref<1x1x128xf32, #tpu.memory_space<vmem>>, vector<1x1x128xf32>
    %get3A_16 = vector.shape_cast %get3A_15 : vector<1x1x128xf32> to vector<128xf32>
    %broadcast_in_dim3A = vector.shape_cast %get3A_16 : vector<128xf32> to vector<1x128xf32>
    %add3A_17 = vector.broadcast %broadcast_in_dim3A : vector<1x128xf32> to vector<1280x128xf32>
    %add3A_18 = arith.addf %mul3A_11, %add3A_17 : vector<1280x128xf32>
    %gt3A = arith.constant 0.000000e+00 : f32
    %gt3A_19 = vector.broadcast %gt3A : f32 to vector<1280x128xf32>
    %gt3A_20 = arith.cmpf ogt, %add3A_18, %gt3A_19 : vector<1280x128xf32>
    %exp3A = math.exp %add3A_18 : vector<1280x128xf32>
    %sub3A = arith.constant 1.000000e+00 : f32
    %sub3A_21 = vector.broadcast %sub3A : f32 to vector<1280x128xf32>
    %sub3A_22 = arith.subf %exp3A, %sub3A_21 : vector<1280x128xf32>
    %select_n3A = arith.select %gt3A_20, %add3A_18, %sub3A_22 : vector<1280x128xi1>, vector<1280x128xf32>
    %swap3A = arith.constant 0 : index
    %swap3A_23 = arith.constant 0 : index
    %swap3A_24 = arith.constant 0 : index
    %swap3A_25 = vector.load %arg5[%swap3A, %swap3A_23, %swap3A_24] : memref<1x1280x128xf32, #tpu.memory_space<vmem>>, vector<1x1280x128xf32>
    %swap3A_26 = vector.shape_cast %swap3A_25 : vector<1x1280x128xf32> to vector<1280x128xf32>
    %swap3A_27 = vector.shape_cast %select_n3A : vector<1280x128xf32> to vector<1x1280x128xf32>
    tpu.vector_store %arg5[%swap3A, %swap3A_23, %swap3A_24], %swap3A_27 {strides = array<i32>} : memref<1x1280x128xf32, #tpu.memory_space<vmem>>, vector<1x1280x128xf32>,
    return
  }
  func.func @transform_0(%arg0: i32, %arg1: i32) -> (i32, i32, i32) {
    %c0_i32 = arith.constant 0 : i32
    %c0_i32_0 = arith.constant 0 : i32
    return %arg0, %arg1, %c0_i32 : i32, i32, i32
  }
  func.func @transform_1(%arg0: i32, %arg1: i32) -> (i32, i32, i32) {
    %c0_i32 = arith.constant 0 : i32
    %c0_i32_0 = arith.constant 0 : i32
    return %arg0, %arg1, %c0_i32 : i32, i32, i32
  }
  func.func @transform_2(%arg0: i32, %arg1: i32) -> (i32, i32, i32) {
    %c0_i32 = arith.constant 0 : i32
    %c0_i32_0 = arith.constant 0 : i32
    %c0_i32_1 = arith.constant 0 : i32
    return %arg0, %c0_i32, %c0_i32_0 : i32, i32, i32
  }
  func.func @transform_3(%arg0: i32, %arg1: i32) -> (i32, i32, i32) {
    %c0_i32 = arith.constant 0 : i32
    %c0_i32_0 = arith.constant 0 : i32
    return %arg0, %arg1, %c0_i32 : i32, i32, i32
  }
}

</mosaic_0001>

<sc_bundles>
// kernel: kernel.11.cloned.1.call-start
scs
__scs_entry_jumppad:
0x0: {  	(pc) =	sbr.rel $0x88, $3  }
0x1: {  	(tag) =	ssettag $0x0;
	lr =	simm.s32 $0x1  }
0x2: {  	[smem:$0x3F95] =	sst lr;
	_ =	strace $0xD0000000  }
0x3: {  	_ = 	snop  }
0x4: {  	_ = 	snop  }
0x5: {  	_ = 	snop  }
0x6: {  	_ = 	snop  }
0x7: {  	_ = 	snop  }
__scs_overlays_trampoline_lowered:
0x8: {  	[smem:$0x3FA4] =	sst s0  }
0x9: {  	[smem:$0x3FA5] =	sst s1  }
0xa: {  	[smem:$0x3FA6] =	sst s2  }
0xb: {  	[smem:$0x3FA7] =	sst s3  }
0xc: {  	[smem:$0x3FA8] =	sst s4  }
0xd: {  	[smem:$0x3FA9] =	sst s5  }
0xe: {  	[smem:$0x3FAA] =	sst s6  }
0xf: {  	[smem:$0x3FAB] =	sst s7  }
0x10: {  	[smem:$0x3FAC] =	sst s8  }
0x11: {  	[smem:$0x3FAD] =	sst s9;
	s0 =	simm.s32 @!p0 $0x0  }
0x12: {  	s1 =	sld [smem:$0x3F93];
	s0 =	simm.s32 @p0 $0x1  }
0x13: {  	[smem:$0x3FAE] =	sst s0;
	s0 =	simm.s32 @!p1 $0x0  }
0x14: {  	s2 =	sld [smem:$0x3F92];
	s0 =	simm.s32 @p1 $0x1  }
0x15: {  	[smem:$0x3FAF] =	sst s0;
	s0 =	simm.s32 @!p2 $0x0  }
0x16: {  	s3 =	sld [smem:$0x3FDB];
	s0 =	simm.s32 @p2 $0x1  }
0x17: {  	s4 =	simm.s32 $0x1BF5;
	[smem:$0x3FB1] =	sst s0  }
0x18: {  	s0 =	sld [smem:$0x3F94];
	_ =	swait.ge [sflag:s4], $0x0  }
0x19: {  	s7 =	sld [smem:$0x3F95]  }
0x1a: {  	s8 =	sadd.s32 $0xFFFFE003, lr  }
0x1b: {  	s9 =	sadd.s32 $0xFFFFFEF7, lr;
	s5 =	simm.s32 $0xFFFFFFFF;
	p2 =	slt.u32 s8, $0xFFFFF086  }
0x1c: {  	p1 =	slt.u32 s9, $0xF7A;
	s5 =	simm.s32 @!p2 $0x0  }
0x1d: {  	s5 =	simm.s32 @p1 $0x1;
	p0 =	seq.s32 s7, s2  }
0x1e: {  	s7 =	smul.u32 @!p0 $0xF7A, s2;
	p2 =	seq.s32 @!p0 s5, $0x0  }
0x1f: {  	s9 =	smul.u32 $0xF7A, s1;
	s8 =	simm.s32 @!p0 $0x1BF5;
	p2 =	por !p2, p0  }
0x20: {  	[sflag:s8] =	ssyncset.s32 @!p0 $0xFFFFF086;
	s6 =	sadd.s32 @!p0 s3, s7;
	s7 =	simm.s32 @!p0 $0x108  }
0x21: {  	s3 =	sadd.s32 s3, s9;
	s6 =	sadd.s32 @!p0 $0x88, s6;
	s7 =	simm.s32 @p2 $0x1082  }
0x22: {  	[simem:s7], [sflag:s8] =	dma.local @!p0 [hbm:s6], $0xF7A  }
0x23: {  	s9 =	sor.u32 $0xD0000000, s2;
	s6 =	simm.s32 $0x108;
	_ =	swait.ge @!p0 [sflag:s8], $0x0  }
0x24: {  	s3 =	sadd.s32 $0x88, s3;
	s6 =	simm.s32 @!p1 $0x1082;
	[sflag:s4] =	ssyncset.s32 $0xFFFFF086  }
0x25: {  	[simem:s6], [sflag:s4] =	dma.local [hbm:s3], $0xF7A  }
0x26: {  	[smem:$0x3F95] =	sst s1;
	(tag) =	ssettag s2;
	_ =	strace s9  }
0x27: {  	s1 =	sld [smem:$0x3FA5]  }
0x28: {  	s2 =	sld [smem:$0x3FA6]  }
0x29: {  	s4 =	sld [smem:$0x3FA8]  }
0x2a: {  	p0 =	seq.s32 s5, $0x0;
	s5 =	sld [smem:$0x3FA9]  }
0x2b: {  	s6 =	sld [smem:$0x3FAA]  }
0x2c: {  	s7 =	sld [smem:$0x3FAB]  }
0x2d: {  	s3 =	simm.s32 $0x108;
	s8 =	sld [smem:$0x3FAC]  }
0x2e: {  	s3 =	simm.s32 @!p0 $0x1082;
	s9 =	sld [smem:$0x3FAD]  }
0x2f: {  	lr =	sadd.s32 s0, s3;
	s0 =	sld [smem:$0x3FA4]  }
0x30: {  	s3 =	sld [smem:$0x3FA7]  }
0x31: {  	[smem:$0x3FB0] =	sst s10  }
0x32: {  	s10 =	sld [smem:$0x3FAE];
	_ =	sdelay $0x3  }
0x33: {  	p0 =	seq.s32 s10, $0x1;
	s10 =	sld [smem:$0x3FB0];
	_ =	sdelay $0x3  }
0x34: {  	[smem:$0x3FB0] =	sst s10  }
0x35: {  	s10 =	sld [smem:$0x3FAF];
	_ =	sdelay $0x3  }
0x36: {  	p1 =	seq.s32 s10, $0x1;
	s10 =	sld [smem:$0x3FB0];
	_ =	sdelay $0x3  }
0x37: {  	[smem:$0x3FB0] =	sst s10  }
0x38: {  	s10 =	sld [smem:$0x3FB1]  }
0x39: {  	_ = 	snop;
	(pc) =	sbr.ind lr, $3  }
0x3a: {  	_ = 	snop  }
0x3b: {  	_ = 	snop  }
0x3c: {  	p2 =	seq.s32 s10, $0x1;
	s10 =	sld [smem:$0x3FB0]  }
0x3d: {  	_ =	shalt  }
0x3e: {  	_ =	shalt  }
0x3f: {  	_ =	shalt  }
0x40: {  	_ =	shalt  }
0x41: {  	_ =	shalt  }
0x42: {  	_ =	shalt  }
0x43: {  	_ =	shalt  }
0x44: {  	_ =	shalt  }
0x45: {  	_ =	shalt  }
0x46: {  	_ =	shalt  }
0x47: {  	_ =	shalt  }
0x48: {  	_ =	shalt  }
0x49: {  	_ =	shalt  }
0x4a: {  	_ =	shalt  }
0x4b: {  	_ =	shalt  }
0x4c: {  	_ =	shalt  }
0x4d: {  	_ =	shalt  }
0x4e: {  	_ =	shalt  }
0x4f: {  	_ =	shalt  }
0x50: {  	_ =	shalt  }
0x51: {  	_ =	shalt  }
0x52: {  	_ =	shalt  }
0x53: {  	_ =	shalt  }
0x54: {  	_ =	shalt  }
0x55: {  	_ =	shalt  }
0x56: {  	_ =	shalt  }
0x57: {  	_ =	shalt  }
0x58: {  	_ =	shalt  }
0x59: {  	_ =	shalt  }
0x5a: {  	_ =	shalt  }
0x5b: {  	_ =	shalt  }
0x5c: {  	_ =	shalt  }
0x5d: {  	_ =	shalt  }
0x5e: {  	_ =	shalt  }
0x5f: {  	_ =	shalt  }
0x60: {  	_ =	shalt  }
0x61: {  	_ =	shalt  }
0x62: {  	_ =	shalt  }
0x63: {  	_ =	shalt  }
0x64: {  	_ =	shalt  }
0x65: {  	_ =	shalt  }
0x66: {  	_ =	shalt  }
0x67: {  	_ =	shalt  }
0x68: {  	_ =	shalt  }
0x69: {  	_ =	shalt  }
0x6a: {  	_ =	shalt  }
0x6b: {  	_ =	shalt  }
0x6c: {  	_ =	shalt  }
0x6d: {  	_ =	shalt  }
0x6e: {  	_ =	shalt  }
0x6f: {  	_ =	shalt  }
0x70: {  	_ =	shalt  }
0x71: {  	_ =	shalt  }
0x72: {  	_ =	shalt  }
0x73: {  	_ =	shalt  }
0x74: {  	_ =	shalt  }
0x75: {  	_ =	shalt  }
0x76: {  	_ =	shalt  }
0x77: {  	_ =	shalt  }
0x78: {  	_ =	shalt  }
0x79: {  	_ =	shalt  }
0x7a: {  	_ =	shalt  }
0x7b: {  	_ =	shalt  }
0x7c: {  	_ =	shalt  }
0x7d: {  	_ =	shalt  }
0x7e: {  	_ =	shalt  }
0x7f: {  	_ =	shalt  }
0x80: {  	_ =	shalt  }
0x81: {  	_ =	shalt  }
0x82: {  	_ =	shalt  }
0x83: {  	_ =	shalt  }
0x84: {  	_ =	shalt  }
0x85: {  	_ =	shalt  }
0x86: {  	_ =	shalt  }
0x87: {  	_ =	shalt  }
.Lfunc_end0:
.L_simem_size_0:
called_computation.1_lowered:
.L_overlay_start_0:
0x88: {  	s2 =	sld [smem:$0x3FD9]  }
0x89: {  	s3 =	sld [smem:$0x3FFE];
	_ =	sdelay $0x1  }
0x8a: {  	s1 =	srdreg.scid  }
0x8b: {  	s0 =	sand.u32 $0x1, s1  }
0x8c: {  	s17 =	sshll.u32 s0, $0xA;
	s2 =	sadd.s32 s3, s2  }
0x8d: {  	s2 =	sadd.s32 s2, s17  }
0x8e: {  	[smem:$0x3FBC] =	sst s2  }
0x8f: {  	_ = 	snop  }
0x90: {  	s2 =	sld [smem:$0x3FD0];
	(tm) =	ssettm $0x1  }
0x91: {  	s18 =	sld [smem:$0x3FFB];
	_ =	sdelay $0x3  }
0x92: {  	_ =	strace s18  }
0x93: {  	s3 =	sld [smem:$0x3FFC];
	_ =	sdelay $0x3  }
0x94: {  	_ =	strace s3  }
0x95: {  	s3 =	sld [smem:$0x3FFD];
	_ =	sdelay $0x3  }
0x96: {  	_ =	strace s3  }
0x97: {  	_ =	strace $0x8FFFFFFF  }
0x98: {  	s19 =	sld [smem:$0x3FDB];
	_ =	sdelay $0x1  }
0x99: {  	s4 =	simm.s32 $_scs_section_size  }
0x9a: {  	s5 =	simm.s32 $_size__tile_overlayer_lowered;
	s6 =	simm.s32 $_tile_overlayer_lowered  }
0x9b: {  	s22 =	simm.s32 $0x1BFF;
	s21 =	sshll.u32 s6, $0x1;
	s3 =	sadd.s32 s4, s19  }
0x9c: {  	s7 =	simm.s32 $0x0;
	s20 =	sshll.u32 s5, $0x1;
	s5 =	sadd.s32 s21, s3  }
0x9d: {  	[timem:s7], [sflag:s22] =	dma.local [hbm:s5], s20  }
0x9e: {  	_ =	swait.ge [sflag:s22], s20  }
0x9f: {  	s4 =	ssub.s32 $0x0, s20;
	[sflag:s22] =	ssyncset.done $0x0  }
0xa0: {  	[sflag:s22] =	ssyncadd.s32 s4;
	_ =	sdelay $0x1  }
0xa1: {  	s23 =	simm.s32 $0x1B8B  }
0xa2: {  	_ =	swait.ge [sflag:s23], $0x1  }
0xa3: {  	[sflag:s23] =	ssyncset.done $0x0  }
0xa4: {  	s25 =	simm.s32 $0x1B8E;
	s24 =	sld [smem:$0x3FFE];
	[sflag:s23] =	ssyncadd.s32 $0xFFFFFFFF  }
0xa5: {  	s26 =	simm.s32 $execute0_lowered;
	[smem:$0x3FD2] =	sst s25  }
0xa6: {  	s5 =	sshll.u32 s26, $0x1;
	_ =	strace $0x80000049;
	[dreg:$0x1] =	wrdreg $0xFFFFFFFF  }
0xa7: {  	s28 =	simm.s32 $_size_execute0_lowered;
	s3 =	sadd.s32 s3, s5;
	[dreg:$0x0] =	wrdreg $0x0  }
0xa8: {  	s5 =	sshll.u32 s28, $0x1;
	[dreg:$0x2] =	wrdreg s3  }
0xa9: {  	[dreg:$0x3] =	wrdreg s5  }
0xaa: {  	[dreg:$0x4] =	wrdreg $0xC0  }
0xab: {  	_ =	task [dreg:s7], $0x5FFFF  }
0xac: {  	[dreg:$0x1] =	wrdreg $0xFFFFFFFF  }
0xad: {  	[dreg:$0x0] =	wrdreg $0x60  }
0xae: {  	[dreg:$0x2] =	wrdreg s24  }
0xaf: {  	[dreg:$0x3] =	wrdreg s2  }
0xb0: {  	[dreg:$0x4] =	wrdreg $0xBF400  }
0xb1: {  	[dreg:$0x5] =	wrdreg $0x9  }
0xb2: {  	_ =	task.clear_ibuf [dreg:s7], $0x6FFFF;
	_ =	strace $0x90000049  }
0xb3: {  	s29 =	simm.s32 $0x9;
	_ =	strace $0x8000004B  }
0xb4: {  	_ =	swait.ge [sflag:s29], $0x1  }
0xb5: {  	[sflag:s29] =	ssyncadd.s32 $0xFFFFFFFF  }
0xb6: {  	_ =	strace $0x9000004B  }
0xb7: {  	_ =	sfence  }
0xb8: {  	s30 =	sld [smem:$0x0];
	_ =	sdelay $0x2  }
0xb9: {  	s31 =	sshll.u32 s1, $0xD;
	s1 =	sshrl.u32 s1, $0x2  }
0xba: {  	s3 =	sand.u32 $0x4000, s31;
	s1 =	sadd.s32 s1, s30  }
0xbb: {  	s0 =	sor.u32 s3, s0;
	s1 =	sshll.u32 s1, $0x11  }
0xbc: {  	s0 =	sor.u32 s1, s0  }
0xbd: {  	s0 =	sadd.s32 $0x8F2B, s0  }
0xbe: {  	[sflag:s0] =	ssyncadd.remote.s32 $0x1  }
0xbf: {  	_ =	sfence.sel $0xFFFF  }
0xc0: {  	[dreg:$0x0] =	wrdreg $0xFFFFFFFF;
	(pc) =	sbr.abs _section_cstart, $3  }
0xc1: {  	[dreg:$0x1] =	wrdreg $0xFFFFFFFF  }
0xc2: {  	_ =	task.clear_ibuf [dreg:s7], $0x2FFFF;
	_ =	strace $0x9FFFFFFF  }
0xc3: {  	(tm) =	ssettm $0x7FFFFFFF  }
tec
execute0_lowered:
.L_overlay_start_1:
0x0: {  	(tag) =	ssettag $0x1  }
0x1: {  	s0 =	rddreg [dreg:$0x0]  }
0x2: {  	s1 =	srdreg.scid;
	s2 =	rddreg [dreg:$0x1]  }
0x3: {  	s15 =	stileid.u32;
	s3 =	rddreg [dreg:$0x2]  }
0x4: {  	s4 =	simm.s32 $0x0;
	s16 =	simm.s32 $0x4;
	s10 =	smul.u32 $0xA000, s15  }
0x5: {  	s17 =	simm.s32 $0x1;
	s18 =	simm.s32 $0x50;
	s9 =	smul.u32 $0x4E20, s15  }
0x6: {  	s30 =	simm.s32 $0x1E0;
	s1 =	sand.u32 $0x1, s1;
	s11 =	smul.u32 $0x1400, s15  }
0x7: {  	s31 =	simm.s32 $0x9740;
	[smem:$0x7FF] =	sst s4;
	s5 =	smul.u32 $0xA0000, s1  }
0x8: {  	s6 =	sadd.s32 $0xD200, s0;
	s29 =	sshll.u32 s15, $0x6;
	s7 =	smul.u32 $0x4E200, s1  }
0x9: {  	_ =	strace $0x8000004A;
	s26 =	ssub.s32 $0x2, s1;
	s1 =	smul.u32 $0x14000, s1  }
0xa: {  	s28 =	sshrl.u32 s26, $0x1;
	s14 =	sadd.s32 s10, s3;
	s5 =	sadd.s32 s10, s5  }
0xb: {  	s7 =	sadd.s32 s9, s7;
	s13 =	ssub.s32 s26, s28;
	s1 =	sadd.s32 s11, s1  }
.Ltmp0:
0xc: {  	s11 =	sor.u32 $0x1C04, s29;
	s15 =	sshrl.u32 s14, $0x3;
	(pc) =	sbr.rel .LBB2_1-.Ltmp0, $4  }
0xd: {  	s14 =	simm.s32 $0x0;
	s8 =	sshrl.u32 s5, $0x3;
	s5 =	sadd.s32 $0x20C00, s0  }
0xe: {  	s12 =	sshrl.u32 s7, $0x3;
	s10 =	sadd.s32 s2, s1;
	s13 =	smax.u32 s13, $0x1  }
0xf: {  	s1 =	simm.s32 $0x2;
	s0 =	sadd.s32 s8, s0;
	s8 =	sadd.s32 s5, s12  }
0x10: {  	s9 =	sadd.s32 s6, s12;
	s12 =	sadd.s32 $0x84600, s0;
	s0 =	simm.s32 $0x3  }
.LBB2_8:
0x11: {  	_ =	swait.ge [sflag:s0], $0x1400  }
0x12: {  	s14 =	sadd.s32 $0x1, s14;
	[sflag:s0] =	ssyncset.done $0x0  }
0x13: {  	p0 =	sne.s32 s14, s13;
	[sflag:s0] =	ssyncadd.s32 $0xFFFFEC00  }
.Ltmp1:
0x14: {  	[bflag:$0x0] =	sbarrier.arrive $0xFFFF;
	(pc) =	sbr.rel @!p0 .LBB2_9-.Ltmp1, $4  }
0x15: {  	[hbm:s12], [sflag:s11] =	dma.local [spmem:s15], $0x1400  }
0x16: {  	_ =	swait.ge [sflag:s16], $0x1400  }
0x17: {  	[sflag:s16] =	ssyncset.done $0x0  }
0x18: {  	[sflag:s16] =	ssyncadd.s32 $0xFFFFEC00  }
.LBB2_1:
0x19: {  	[tilespmem:s4], [sflag:$0x1] =	stream.linear.gather [hbm4b:s8+s4], $0x7D0, $0x38;
	[tilespmem:$0x15F40] =	vst v63  }
0x1a: {  	s19 =	simm.s32 $0xFA0  }
0x1b: {  	[tilespmem:s19], [sflag:$0x1] =	stream.linear.gather [hbm4b:s9+s4], $0x7D0, $0x38;
	[tilespmem:$0x15F40] =	vst v63  }
0x1c: {  	[spmem:s15], [sflag:s11] =	dma.local [hbm:s10], $0x1400  }
0x1d: {  	_ =	swait.ge [sflag:s16], $0x1400  }
0x1e: {  	[sflag:s16] =	ssyncset.done $0x0  }
0x1f: {  	[sflag:s16] =	ssyncadd.s32 $0xFFFFEC00  }
0x20: {  	_ =	swait.ge [sflag:s17], $0x7D0  }
0x21: {  	[sflag:s17] =	ssyncset.done $0x0  }
0x22: {  	[sflag:s17] =	ssyncadd.s32 $0xFFFFF830  }
0x23: {  	_ =	swait.ge [sflag:s17], $0x7D0  }
0x24: {  	[sflag:s17] =	ssyncset.done $0x0  }
0x25: {  	[sflag:s17] =	ssyncadd.s32 $0xFFFFF830  }
0x26: {  	s20 =	simm.s32 $0x1F40;
	[bflag:$0x0] =	sbarrier.arrive $0xFFFF  }
0x27: {  	[tilespmem:s20], [sflag:$0x2] =	stream.indirect.gather [hbm4b:s2+s18], $0x40, s4, s18, $0xb8;
	[tilespmem:$0x15F40] =	vst v63  }
0x28: {  	s21 =	simm.s32 $0x3340  }
0x29: {  	[tilespmem:s21], [sflag:$0x2] =	stream.indirect.gather [hbm4b:s2+s18], $0x40, s18, s18, $0xb8;
	[tilespmem:$0x15F40] =	vst v63  }
0x2a: {  	s22 =	simm.s32 $0xA0;
	s20 =	simm.s32 $0x4740  }
0x2b: {  	[tilespmem:s20], [sflag:$0x2] =	stream.indirect.gather [hbm4b:s2+s18], $0x40, s22, s18, $0xb8;
	[tilespmem:$0x15F40] =	vst v63  }
0x2c: {  	s23 =	simm.s32 $0xF0;
	s24 =	simm.s32 $0x5B40  }
0x2d: {  	[tilespmem:s24], [sflag:$0x2] =	stream.indirect.gather [hbm4b:s2+s18], $0x40, s23, s18, $0xb8;
	[tilespmem:$0x15F40] =	vst v63  }
0x2e: {  	s25 =	simm.s32 $0x140;
	s26 =	simm.s32 $0x6F40  }
0x2f: {  	[tilespmem:s26], [sflag:$0x2] =	stream.indirect.gather [hbm4b:s2+s18], $0x40, s25, s18, $0xb8;
	[tilespmem:$0x15F40] =	vst v63  }
.Ltmp2:
0x30: {  	_ = 	snop;
	(pc) =	sbr.rel .LBB2_3-.Ltmp2, $4  }
0x31: {  	s28 =	simm.s32 $0x190;
	s29 =	simm.s32 $0x8340  }
0x32: {  	[tilespmem:s29], [sflag:$0x2] =	stream.indirect.gather [hbm4b:s2+s18], $0x40, s28, s18, $0xb8;
	[tilespmem:$0x15F40] =	vst v63  }
0x33: {  	p0 =	por $0x1, $0x1;
	s19 =	simm.s32 $0x0;
	s20 =	simm.s32 $0x0  }
0x34: {  	[tilespmem:s31], [sflag:$0x2] =	stream.indirect.gather [hbm4b:s2+s18], $0x40, s30, s18, $0xb8;
	[tilespmem:$0x15F40] =	vst v63  }
.LBB2_2:
0x35: {  	p1 =	seq.s32 s20, $0xA  }
.Ltmp3:
0x36: {  	_ = 	snop;
	(pc) =	sbr.rel @p1 .LBB2_8-.Ltmp3, $2  }
0x37: {  	_ =	sdelay $0x2  }
0x38: {  	p0 =	por !p0, !p0;
	s19 =	sadd.s32 $0x19, s19  }
.LBB2_3:
0x39: {  	s25 =	smov.u32 s20  }
0x3a: {  	s20 =	sadd.s32 $0x1, s20;
	p1 =	seq.s32 s25, $0x9  }
0x3b: {  	s21 =	smul.u32 @!p1 $0x7D0, s20  }
0x3c: {  	s23 =	simm.s32 $0x1  }
0x3d: {  	s22 =	sand.u32 $0x1, s20;
	s23 =	simm.s32 @!p0 $0x0;
	s21 =	sadd.s32 @!p1 s7, s21  }
0x3e: {  	s29 =	sand.u32 $0x1, s25;
	s22 =	smul.u32 @!p1 $0x7D0, s22;
	s21 =	sshrl.u32 @!p1 s21, $0x3  }
0x3f: {  	s26 =	simm.s32 @!p1 $0x0;
	s28 =	smul.u32 $0x1F40, s23;
	s24 =	sadd.s32 @!p1 s5, s21  }
0x40: {  	[tilespmem:s22], [sflag:$0x1] =	stream.linear.gather @!p1 [hbm4b:s24+s26], $0x7D0, $0x38;
	[tilespmem:$0x15F40] =	vst v63  }
.Ltmp4:
0x41: {  	p2 =	seq.s32 s29, $0x1;
	s23 =	simm.s32 $0x7D0;
	(pc) =	sbr.rel .LBB2_4-.Ltmp4, $4  }
0x42: {  	s23 =	simm.s32 @!p2 $0x0;
	s21 =	sadd.s32 @!p1 s6, s21;
	s22 =	sadd.s32 @!p1 $0xFA0, s22  }
0x43: {  	[tilespmem:s22], [sflag:$0x1] =	stream.linear.gather @!p1 [hbm4b:s21+s26], $0x7D0, $0x38;
	[tilespmem:$0x15F40] =	vst v63  }
0x44: {  	p2 =	sne.s32 s25, $0x9;
	s24 =	simm.s32 $0x0;
	s21 =	sshrl.u32 s28, $0x2  }
0x45: {  	s22 =	sadd.s32 $0xFA0, s23;
	s23 =	sadd.s32 $0x230, s23;
	s21 =	sadd.s32 $0xFFFFFA60, s21  }
.LBB2_6:
0x46: {  	s28 =	smul.u32 @!p3 $0x5000, s26;
	_ =	sdelay $0x1  }
0x47: {  	s28 =	sshrl.u32 @!p3 s28, $0x2  }
0x48: {  	s29 =	simm.s32 @!p3 $0x50;
	s28 =	sadd.s32 @!p3 $0x1F40, s28  }
0x49: {  	[tilespmem:s28], [sflag:$0x2] =	stream.indirect.gather @!p3 [hbm4b:s2+s29], $0x40, s23, s29, $0xb8;
	[tilespmem:$0x15F40] =	vst v63  }
.LBB2_7:
0x4a: {  	p3 =	por !p2, !p3  }
0x4b: {  	p3 =	por !p3, !p3  }
0x4c: {  	s26 =	smul.u32 @p3 $0x5000, s26;
	_ =	sdelay $0x1  }
0x4d: {  	s25 =	sand.u32 $0x7, s25;
	s26 =	sshrl.u32 @p3 s26, $0x2  }
0x4e: {  	s24 =	sadd.s32 $0x1, s24;
	s28 =	simm.s32 @p3 $0x50;
	s26 =	sadd.s32 @p3 $0x1F40, s26  }
0x4f: {  	[tilespmem:s26], [sflag:$0x2] =	stream.indirect.gather @p3 [hbm4b:s2+s28], $0x40, s21, s28, $0xb8;
	[tilespmem:$0x15F40] =	vst v63  }
0x50: {  	s25 =	smul.u32 $0x5000, s25;
	p3 =	seq.s32 s24, $0x19  }
.Ltmp5:
0x51: {  	_ =	swait.ge [sflag:s1], $0x1400;
	(pc) =	sbr.rel @p3 .LBB2_2-.Ltmp5, $4  }
0x52: {  	s25 =	sshrl.u32 s25, $0x2;
	[sflag:s1] =	ssyncset.done $0x0  }
0x53: {  	s25 =	sadd.s32 $0x1F40, s25;
	[sflag:s1] =	ssyncadd.s32 $0xFFFFEC00  }
0x54: {  	[spmem:s3] =	stream.indirect.scatter.add.f32 [tilespmem:s25], [sflag:$0x3], $0x40, s22, s18, $0xb8;
	[tilespmem:$0x15F40] =	vst v63  }
0x55: {  	s23 =	sadd.s32 $0x50, s23;
	s21 =	sadd.s32 $0x50, s21;
	s22 =	sadd.s32 $0x50, s22  }
.LBB2_4:
0x56: {  	p4 =	sne.s32 @!p1 s24, $0x12  }
0x57: {  	s25 =	sadd.s32 s24, s19;
	p4 =	por p1, p4  }
.Ltmp6:
0x58: {  	p3 =	seq.s32 s25, $0x0;
	(pc) =	sbr.rel @p4 .LBB2_6-.Ltmp6, $4  }
0x59: {  	s28 =	simm.s32 @!p3 $0x3  }
0x5a: {  	_ =	swait.ge @!p3 [sflag:s28], $0x1400  }
0x5b: {  	s26 =	sadd.s32 $0xFFFFFFFF, s25;
	[sflag:s28] =	ssyncset.done @!p3 $0x0  }
0x5c: {  	s26 =	sand.u32 $0x7, s26;
	[sflag:s28] =	ssyncadd.s32 @!p3 $0xFFFFEC00;
	p3 =	sgt.u32 s24, $0x11  }
0x5d: {  	_ =	swait.ge [sflag:s17], $0x7D0  }
.Ltmp7:
0x5e: {  	[sflag:s17] =	ssyncset.done $0x0;
	(pc) =	sbr.rel .LBB2_7-.Ltmp7, $4  }
0x5f: {  	[sflag:s17] =	ssyncadd.s32 $0xFFFFF830  }
0x60: {  	_ =	swait.ge [sflag:s17], $0x7D0  }
0x61: {  	[sflag:s17] =	ssyncset.done $0x0  }
0x62: {  	[sflag:s17] =	ssyncadd.s32 $0xFFFFF830  }
.LBB2_9:
0x63: {  	_ =	sfence.sel $0x180000  }
0x64: {  	[bflag:$0x0] =	sbarrier.arrive $0xFFFF  }
0x65: {  	_ =	strace $0x9000004A  }
0x66: {  	s0 =	stileid.u32;
	[bflag:$0x2] =	sbarrier.arrive $0xFFFF  }
0x67: {  	p0 =	sne.s32 s0, $0x0;
	s0 =	rddreg [dreg:$0x3]  }
0x68: {  	s0 =	sadd.s32 @!p0 $0x100000, s0  }
0x69: {  	[sflag:s0] =	ssyncadd.tile.s32 @!p0 $0x1;
	_ =	shalt  }
.Lfunc_end2:
_tile_overlayer_lowered:
.L_overlay_start_2:
0x6a: {  	(tag) =	ssettag $0x2  }
0x6b: {  	s0 =	rddreg [dreg:$0x0];
	s2 =	stileid.u32  }
0x6c: {  	s1 =	rddreg [dreg:$0x1];
	p0 =	sne.s32 s2, $0x0  }
0x6d: {  	s3 =	rddreg [dreg:$0x2];
	[bflag:$0x3] =	sbarrier.arrive $0xFFFF;
	s2 =	simm.s32 @!p0 $0x1C04  }
0x6e: {  	[timem:s3], [sflag:s2] =	dma.local @!p0 [hbm:s0], s1  }
0x6f: {  	s0 =	simm.s32 @!p0 $0x4  }
0x70: {  	_ =	swait.ge @!p0 [sflag:s0], s1  }
0x71: {  	s1 =	ssub.s32 @!p0 $0x0, s1;
	[sflag:s0] =	ssyncset.done @!p0 $0x0  }
0x72: {  	[sflag:s0] =	ssyncadd.s32 @!p0 s1  }
0x73: {  	[bflag:$0x3] =	sbarrier.arrive $0xFFFF  }
0x74: {  	_ =	shalt  }

// kernel: kernel.14.cloned.1.call-start
scs
__scs_entry_jumppad:
0x0: {  	(pc) =	sbr.rel $0x88, $3  }
0x1: {  	(tag) =	ssettag $0x0;
	lr =	simm.s32 $0x1  }
0x2: {  	[smem:$0x3F95] =	sst lr;
	_ =	strace $0xD0000000  }
0x3: {  	_ = 	snop  }
0x4: {  	_ = 	snop  }
0x5: {  	_ = 	snop  }
0x6: {  	_ = 	snop  }
0x7: {  	_ = 	snop  }
__scs_overlays_trampoline_lowered:
0x8: {  	[smem:$0x3FA4] =	sst s0  }
0x9: {  	[smem:$0x3FA5] =	sst s1  }
0xa: {  	[smem:$0x3FA6] =	sst s2  }
0xb: {  	[smem:$0x3FA7] =	sst s3  }
0xc: {  	[smem:$0x3FA8] =	sst s4  }
0xd: {  	[smem:$0x3FA9] =	sst s5  }
0xe: {  	[smem:$0x3FAA] =	sst s6  }
0xf: {  	[smem:$0x3FAB] =	sst s7  }
0x10: {  	[smem:$0x3FAC] =	sst s8  }
0x11: {  	[smem:$0x3FAD] =	sst s9;
	s0 =	simm.s32 @!p0 $0x0  }
0x12: {  	s1 =	sld [smem:$0x3F93];
	s0 =	simm.s32 @p0 $0x1  }
0x13: {  	[smem:$0x3FAE] =	sst s0;
	s0 =	simm.s32 @!p1 $0x0  }
0x14: {  	s2 =	sld [smem:$0x3F92];
	s0 =	simm.s32 @p1 $0x1  }
0x15: {  	[smem:$0x3FAF] =	sst s0;
	s0 =	simm.s32 @!p2 $0x0  }
0x16: {  	s3 =	sld [smem:$0x3FDB];
	s0 =	simm.s32 @p2 $0x1  }
0x17: {  	s4 =	simm.s32 $0x1BF5;
	[smem:$0x3FB1] =	sst s0  }
0x18: {  	s0 =	sld [smem:$0x3F94];
	_ =	swait.ge [sflag:s4], $0x0  }
0x19: {  	s7 =	sld [smem:$0x3F95]  }
0x1a: {  	s8 =	sadd.s32 $0xFFFFE003, lr  }
0x1b: {  	s9 =	sadd.s32 $0xFFFFFEF7, lr;
	s5 =	simm.s32 $0xFFFFFFFF;
	p2 =	slt.u32 s8, $0xFFFFF086  }
0x1c: {  	p1 =	slt.u32 s9, $0xF7A;
	s5 =	simm.s32 @!p2 $0x0  }
0x1d: {  	s5 =	simm.s32 @p1 $0x1;
	p0 =	seq.s32 s7, s2  }
0x1e: {  	s7 =	smul.u32 @!p0 $0xF7A, s2;
	p2 =	seq.s32 @!p0 s5, $0x0  }
0x1f: {  	s9 =	smul.u32 $0xF7A, s1;
	s8 =	simm.s32 @!p0 $0x1BF5;
	p2 =	por !p2, p0  }
0x20: {  	[sflag:s8] =	ssyncset.s32 @!p0 $0xFFFFF086;
	s6 =	sadd.s32 @!p0 s3, s7;
	s7 =	simm.s32 @!p0 $0x108  }
0x21: {  	s3 =	sadd.s32 s3, s9;
	s6 =	sadd.s32 @!p0 $0x88, s6;
	s7 =	simm.s32 @p2 $0x1082  }
0x22: {  	[simem:s7], [sflag:s8] =	dma.local @!p0 [hbm:s6], $0xF7A  }
0x23: {  	s9 =	sor.u32 $0xD0000000, s2;
	s6 =	simm.s32 $0x108;
	_ =	swait.ge @!p0 [sflag:s8], $0x0  }
0x24: {  	s3 =	sadd.s32 $0x88, s3;
	s6 =	simm.s32 @!p1 $0x1082;
	[sflag:s4] =	ssyncset.s32 $0xFFFFF086  }
0x25: {  	[simem:s6], [sflag:s4] =	dma.local [hbm:s3], $0xF7A  }
0x26: {  	[smem:$0x3F95] =	sst s1;
	(tag) =	ssettag s2;
	_ =	strace s9  }
0x27: {  	s1 =	sld [smem:$0x3FA5]  }
0x28: {  	s2 =	sld [smem:$0x3FA6]  }
0x29: {  	s4 =	sld [smem:$0x3FA8]  }
0x2a: {  	p0 =	seq.s32 s5, $0x0;
	s5 =	sld [smem:$0x3FA9]  }
0x2b: {  	s6 =	sld [smem:$0x3FAA]  }
0x2c: {  	s7 =	sld [smem:$0x3FAB]  }
0x2d: {  	s3 =	simm.s32 $0x108;
	s8 =	sld [smem:$0x3FAC]  }
0x2e: {  	s3 =	simm.s32 @!p0 $0x1082;
	s9 =	sld [smem:$0x3FAD]  }
0x2f: {  	lr =	sadd.s32 s0, s3;
	s0 =	sld [smem:$0x3FA4]  }
0x30: {  	s3 =	sld [smem:$0x3FA7]  }
0x31: {  	[smem:$0x3FB0] =	sst s10  }
0x32: {  	s10 =	sld [smem:$0x3FAE];
	_ =	sdelay $0x3  }
0x33: {  	p0 =	seq.s32 s10, $0x1;
	s10 =	sld [smem:$0x3FB0];
	_ =	sdelay $0x3  }
0x34: {  	[smem:$0x3FB0] =	sst s10  }
0x35: {  	s10 =	sld [smem:$0x3FAF];
	_ =	sdelay $0x3  }
0x36: {  	p1 =	seq.s32 s10, $0x1;
	s10 =	sld [smem:$0x3FB0];
	_ =	sdelay $0x3  }
0x37: {  	[smem:$0x3FB0] =	sst s10  }
0x38: {  	s10 =	sld [smem:$0x3FB1]  }
0x39: {  	_ = 	snop;
	(pc) =	sbr.ind lr, $3  }
0x3a: {  	_ = 	snop  }
0x3b: {  	_ = 	snop  }
0x3c: {  	p2 =	seq.s32 s10, $0x1;
	s10 =	sld [smem:$0x3FB0]  }
0x3d: {  	_ =	shalt  }
0x3e: {  	_ =	shalt  }
0x3f: {  	_ =	shalt  }
0x40: {  	_ =	shalt  }
0x41: {  	_ =	shalt  }
0x42: {  	_ =	shalt  }
0x43: {  	_ =	shalt  }
0x44: {  	_ =	shalt  }
0x45: {  	_ =	shalt  }
0x46: {  	_ =	shalt  }
0x47: {  	_ =	shalt  }
0x48: {  	_ =	shalt  }
0x49: {  	_ =	shalt  }
0x4a: {  	_ =	shalt  }
0x4b: {  	_ =	shalt  }
0x4c: {  	_ =	shalt  }
0x4d: {  	_ =	shalt  }
0x4e: {  	_ =	shalt  }
0x4f: {  	_ =	shalt  }
0x50: {  	_ =	shalt  }
0x51: {  	_ =	shalt  }
0x52: {  	_ =	shalt  }
0x53: {  	_ =	shalt  }
0x54: {  	_ =	shalt  }
0x55: {  	_ =	shalt  }
0x56: {  	_ =	shalt  }
0x57: {  	_ =	shalt  }
0x58: {  	_ =	shalt  }
0x59: {  	_ =	shalt  }
0x5a: {  	_ =	shalt  }
0x5b: {  	_ =	shalt  }
0x5c: {  	_ =	shalt  }
0x5d: {  	_ =	shalt  }
0x5e: {  	_ =	shalt  }
0x5f: {  	_ =	shalt  }
0x60: {  	_ =	shalt  }
0x61: {  	_ =	shalt  }
0x62: {  	_ =	shalt  }
0x63: {  	_ =	shalt  }
0x64: {  	_ =	shalt  }
0x65: {  	_ =	shalt  }
0x66: {  	_ =	shalt  }
0x67: {  	_ =	shalt  }
0x68: {  	_ =	shalt  }
0x69: {  	_ =	shalt  }
0x6a: {  	_ =	shalt  }
0x6b: {  	_ =	shalt  }
0x6c: {  	_ =	shalt  }
0x6d: {  	_ =	shalt  }
0x6e: {  	_ =	shalt  }
0x6f: {  	_ =	shalt  }
0x70: {  	_ =	shalt  }
0x71: {  	_ =	shalt  }
0x72: {  	_ =	shalt  }
0x73: {  	_ =	shalt  }
0x74: {  	_ =	shalt  }
0x75: {  	_ =	shalt  }
0x76: {  	_ =	shalt  }
0x77: {  	_ =	shalt  }
0x78: {  	_ =	shalt  }
0x79: {  	_ =	shalt  }
0x7a: {  	_ =	shalt  }
0x7b: {  	_ =	shalt  }
0x7c: {  	_ =	shalt  }
0x7d: {  	_ =	shalt  }
0x7e: {  	_ =	shalt  }
0x7f: {  	_ =	shalt  }
0x80: {  	_ =	shalt  }
0x81: {  	_ =	shalt  }
0x82: {  	_ =	shalt  }
0x83: {  	_ =	shalt  }
0x84: {  	_ =	shalt  }
0x85: {  	_ =	shalt  }
0x86: {  	_ =	shalt  }
0x87: {  	_ =	shalt  }
.Lfunc_end0:
.L_simem_size_0:
called_computation.2_lowered:
.L_overlay_start_0:
0x88: {  	s2 =	sld [smem:$0x3FD9]  }
0x89: {  	s3 =	sld [smem:$0x3FFE];
	_ =	sdelay $0x1  }
0x8a: {  	s1 =	srdreg.scid  }
0x8b: {  	s0 =	sand.u32 $0x1, s1  }
0x8c: {  	s16 =	sshll.u32 s0, $0xA;
	s2 =	sadd.s32 s3, s2  }
0x8d: {  	s2 =	sadd.s32 s2, s16  }
0x8e: {  	[smem:$0x3FBC] =	sst s2  }
0x8f: {  	_ = 	snop  }
0x90: {  	(tm) =	ssettm $0x1  }
0x91: {  	s17 =	sld [smem:$0x3FFB];
	_ =	sdelay $0x3  }
0x92: {  	_ =	strace s17  }
0x93: {  	s2 =	sld [smem:$0x3FFC];
	_ =	sdelay $0x3  }
0x94: {  	_ =	strace s2  }
0x95: {  	s2 =	sld [smem:$0x3FFD];
	_ =	sdelay $0x3  }
0x96: {  	_ =	strace s2  }
0x97: {  	_ =	strace $0x8FFFFFFF  }
0x98: {  	s18 =	sld [smem:$0x3FDB];
	_ =	sdelay $0x1  }
0x99: {  	s19 =	simm.s32 $_scs_section_size  }
0x9a: {  	s4 =	simm.s32 $_size__tile_overlayer_lowered;
	s5 =	simm.s32 $_tile_overlayer_lowered  }
0x9b: {  	s22 =	simm.s32 $0x1BFF;
	s21 =	sshll.u32 s5, $0x1;
	s2 =	sadd.s32 s19, s18  }
0x9c: {  	s6 =	simm.s32 $0x0;
	s20 =	sshll.u32 s4, $0x1;
	s4 =	sadd.s32 s21, s2  }
0x9d: {  	[timem:s6], [sflag:s22] =	dma.local [hbm:s4], s20  }
0x9e: {  	_ =	swait.ge [sflag:s22], s20  }
0x9f: {  	s3 =	ssub.s32 $0x0, s20;
	[sflag:s22] =	ssyncset.done $0x0  }
0xa0: {  	[sflag:s22] =	ssyncadd.s32 s3;
	_ =	sdelay $0x1  }
0xa1: {  	s23 =	simm.s32 $0x1B8B  }
0xa2: {  	_ =	swait.ge [sflag:s23], $0x1  }
0xa3: {  	[sflag:s23] =	ssyncset.done $0x0  }
0xa4: {  	s25 =	simm.s32 $0x1B8E;
	s24 =	sld [smem:$0x3FFE];
	[sflag:s23] =	ssyncadd.s32 $0xFFFFFFFF  }
0xa5: {  	s26 =	simm.s32 $execute0_lowered;
	[smem:$0x3FD2] =	sst s25  }
0xa6: {  	s4 =	sshll.u32 s26, $0x1;
	_ =	strace $0x8000004C;
	[dreg:$0x1] =	wrdreg $0xFFFFFFFF  }
0xa7: {  	s28 =	simm.s32 $_size_execute0_lowered;
	s2 =	sadd.s32 s2, s4;
	[dreg:$0x0] =	wrdreg $0x0  }
0xa8: {  	s4 =	sshll.u32 s28, $0x1;
	[dreg:$0x2] =	wrdreg s2  }
0xa9: {  	[dreg:$0x3] =	wrdreg s4  }
0xaa: {  	[dreg:$0x4] =	wrdreg $0xC0  }
0xab: {  	_ =	task [dreg:s6], $0x5FFFF  }
0xac: {  	[dreg:$0x1] =	wrdreg $0xFFFFFFFF  }
0xad: {  	[dreg:$0x0] =	wrdreg $0x60  }
0xae: {  	[dreg:$0x2] =	wrdreg s24  }
0xaf: {  	[dreg:$0x3] =	wrdreg $0xBF400  }
0xb0: {  	[dreg:$0x4] =	wrdreg $0x9  }
0xb1: {  	_ =	task.clear_ibuf [dreg:s6], $0x5FFFF;
	_ =	strace $0x9000004C  }
0xb2: {  	s29 =	simm.s32 $0x9;
	_ =	strace $0x8000004E  }
0xb3: {  	_ =	swait.ge [sflag:s29], $0x1  }
0xb4: {  	[sflag:s29] =	ssyncadd.s32 $0xFFFFFFFF  }
0xb5: {  	_ =	strace $0x9000004E  }
0xb6: {  	_ =	sfence  }
0xb7: {  	s30 =	sld [smem:$0x0];
	_ =	sdelay $0x2  }
0xb8: {  	s31 =	sshll.u32 s1, $0xD;
	s1 =	sshrl.u32 s1, $0x2  }
0xb9: {  	s3 =	sand.u32 $0x4000, s31;
	s1 =	sadd.s32 s1, s30  }
0xba: {  	s0 =	sor.u32 s3, s0;
	s1 =	sshll.u32 s1, $0x11  }
0xbb: {  	s0 =	sor.u32 s1, s0  }
0xbc: {  	s0 =	sadd.s32 $0x8F2B, s0  }
0xbd: {  	[sflag:s0] =	ssyncadd.remote.s32 $0x1  }
0xbe: {  	_ =	sfence.sel $0xFFFF  }
0xbf: {  	[dreg:$0x0] =	wrdreg $0xFFFFFFFF;
	(pc) =	sbr.abs _section_cstart, $3  }
0xc0: {  	[dreg:$0x1] =	wrdreg $0xFFFFFFFF  }
0xc1: {  	_ =	task.clear_ibuf [dreg:s6], $0x2FFFF;
	_ =	strace $0x9FFFFFFF  }
0xc2: {  	(tm) =	ssettm $0x7FFFFFFF  }
0xc3: {  	_ =	shalt  }
tec
execute0_lowered:
.L_overlay_start_1:
0x0: {  	(tag) =	ssettag $0x1  }
0x1: {  	s0 =	rddreg [dreg:$0x0]  }
0x2: {  	s2 =	rddreg [dreg:$0x1]  }
0x3: {  	s3 =	simm.s32 $0x0;
	s1 =	srdreg.scid;
	s16 =	stileid.u32  }
0x4: {  	s17 =	simm.s32 $0x1;
	s18 =	simm.s32 $0x50;
	s21 =	simm.s32 $0xA0  }
0x5: {  	s22 =	simm.s32 $0x6F40;
	s23 =	simm.s32 $0x2;
	s24 =	simm.s32 $0x3  }
0x6: {  	s25 =	simm.s32 $0x0;
	[smem:$0x7FF] =	sst s3;
	s10 =	smul.u32 $0x14000, s16  }
0x7: {  	s1 =	sand.u32 $0x1, s1;
	s4 =	sadd.s32 $0x20C00, s0;
	s9 =	smul.u32 $0x4E20, s16  }
0x8: {  	s5 =	sadd.s32 $0xD200, s0;
	s6 =	sadd.s32 $0x84600, s0;
	s13 =	smul.u32 $0x2800, s16  }
0x9: {  	s31 =	sshll.u32 s16, $0x6;
	s16 =	simm.s32 $0x4;
	s7 =	smul.u32 $0x140000, s1  }
0xa: {  	_ =	strace $0x8000004D;
	s8 =	smul.u32 $0x4E200, s1;
	s12 =	ssub.s32 $0x2, s1  }
0xb: {  	s1 =	smul.u32 $0x28000, s1;
	s14 =	sshrl.u32 s12, $0x1;
	s15 =	sadd.s32 s10, s2  }
.Ltmp0:
0xc: {  	s7 =	sadd.s32 s10, s7;
	s14 =	ssub.s32 s12, s14;
	(pc) =	sbr.rel .LBB2_1-.Ltmp0, $4  }
0xd: {  	s1 =	sadd.s32 s13, s1;
	s15 =	sshrl.u32 s15, $0x3;
	s11 =	sshrl.u32 s7, $0x3  }
0xe: {  	s7 =	sadd.s32 s9, s8;
	s10 =	sadd.s32 s6, s1;
	s13 =	smax.u32 s14, $0x1  }
0xf: {  	s0 =	sadd.s32 s11, s0;
	s9 =	sshrl.u32 s7, $0x3;
	s11 =	sor.u32 $0x1C04, s31  }
0x10: {  	s8 =	sadd.s32 s4, s9;
	s9 =	sadd.s32 s5, s9;
	s12 =	sadd.s32 $0xD4600, s0  }
.LBB2_8:
0x11: {  	_ =	swait.ge [sflag:s24], $0x2800  }
0x12: {  	s25 =	sadd.s32 $0x1, s25;
	[sflag:s24] =	ssyncset.done $0x0  }
0x13: {  	p0 =	sne.s32 s25, s13;
	[sflag:s24] =	ssyncadd.s32 $0xFFFFD800  }
.Ltmp1:
0x14: {  	[bflag:$0x0] =	sbarrier.arrive $0xFFFF;
	(pc) =	sbr.rel @!p0 .LBB2_9-.Ltmp1, $4  }
0x15: {  	[hbm:s12], [sflag:s11] =	dma.local [spmem:s15], $0x2800  }
0x16: {  	_ =	swait.ge [sflag:s16], $0x2800  }
0x17: {  	[sflag:s16] =	ssyncset.done $0x0  }
0x18: {  	[sflag:s16] =	ssyncadd.s32 $0xFFFFD800  }
.LBB2_1:
0x19: {  	[tilespmem:s3], [sflag:$0x1] =	stream.linear.gather [hbm4b:s8+s3], $0x7D0, $0x38;
	[tilespmem:$0x1FF40] =	vst v63  }
0x1a: {  	s0 =	simm.s32 $0xFA0  }
0x1b: {  	[tilespmem:s0], [sflag:$0x1] =	stream.linear.gather [hbm4b:s9+s3], $0x7D0, $0x38;
	[tilespmem:$0x1FF40] =	vst v63  }
0x1c: {  	[spmem:s15], [sflag:s11] =	dma.local [hbm:s10], $0x2800  }
0x1d: {  	_ =	swait.ge [sflag:s16], $0x2800  }
0x1e: {  	[sflag:s16] =	ssyncset.done $0x0  }
0x1f: {  	[sflag:s16] =	ssyncadd.s32 $0xFFFFD800  }
0x20: {  	_ =	swait.ge [sflag:s17], $0x7D0  }
0x21: {  	[sflag:s17] =	ssyncset.done $0x0  }
0x22: {  	[sflag:s17] =	ssyncadd.s32 $0xFFFFF830  }
0x23: {  	_ =	swait.ge [sflag:s17], $0x7D0  }
0x24: {  	[sflag:s17] =	ssyncset.done $0x0  }
0x25: {  	[sflag:s17] =	ssyncadd.s32 $0xFFFFF830  }
0x26: {  	s30 =	simm.s32 $0x1F40;
	[bflag:$0x0] =	sbarrier.arrive $0xFFFF  }
0x27: {  	[tilespmem:s30], [sflag:$0x2] =	stream.indirect.gather [hbm4b:s6+s18], $0x80, s3, s18, $0xb8;
	[tilespmem:$0x1FF40] =	vst v63  }
.Ltmp2:
0x28: {  	_ = 	snop;
	(pc) =	sbr.rel .LBB2_3-.Ltmp2, $4  }
0x29: {  	s31 =	simm.s32 $0x4740  }
0x2a: {  	[tilespmem:s31], [sflag:$0x2] =	stream.indirect.gather [hbm4b:s6+s18], $0x80, s18, s18, $0xb8;
	[tilespmem:$0x1FF40] =	vst v63  }
0x2b: {  	p0 =	por $0x1, $0x1;
	s26 =	simm.s32 $0x0;
	s28 =	simm.s32 $0x0  }
0x2c: {  	[tilespmem:s22], [sflag:$0x2] =	stream.indirect.gather [hbm4b:s6+s18], $0x80, s21, s18, $0xb8;
	[tilespmem:$0x1FF40] =	vst v63  }
.LBB2_2:
0x2d: {  	p1 =	seq.s32 s28, $0xA  }
.Ltmp3:
0x2e: {  	_ = 	snop;
	(pc) =	sbr.rel @p1 .LBB2_8-.Ltmp3, $2  }
0x2f: {  	_ =	sdelay $0x2  }
0x30: {  	p0 =	por !p0, !p0;
	s26 =	sadd.s32 $0x19, s26  }
.LBB2_3:
0x31: {  	s1 =	smov.u32 s28  }
0x32: {  	s28 =	sadd.s32 $0x1, s28;
	p1 =	seq.s32 s1, $0x9  }
0x33: {  	s0 =	smul.u32 @!p1 $0x7D0, s28  }
0x34: {  	s29 =	simm.s32 $0x1  }
0x35: {  	s14 =	sand.u32 $0x1, s28;
	s29 =	simm.s32 @!p0 $0x0;
	s0 =	sadd.s32 @!p1 s7, s0  }
0x36: {  	s20 =	sand.u32 $0x1, s1;
	s14 =	smul.u32 @!p1 $0x7D0, s14;
	s0 =	sshrl.u32 @!p1 s0, $0x3  }
0x37: {  	s31 =	simm.s32 @!p1 $0x0;
	s19 =	smul.u32 $0x1F40, s29;
	s30 =	sadd.s32 @!p1 s4, s0  }
0x38: {  	[tilespmem:s14], [sflag:$0x1] =	stream.linear.gather @!p1 [hbm4b:s30+s31], $0x7D0, $0x38;
	[tilespmem:$0x1FF40] =	vst v63  }
.Ltmp4:
0x39: {  	s0 =	sadd.s32 @!p1 s5, s0;
	s14 =	sadd.s32 @!p1 $0xFA0, s14;
	(pc) =	sbr.rel .LBB2_4-.Ltmp4, $4  }
0x3a: {  	[tilespmem:s14], [sflag:$0x1] =	stream.linear.gather @!p1 [hbm4b:s0+s31], $0x7D0, $0x38;
	[tilespmem:$0x1FF40] =	vst v63  }
0x3b: {  	p2 =	seq.s32 s20, $0x1;
	s14 =	simm.s32 $0x7D0;
	s0 =	sshrl.u32 s19, $0x2  }
0x3c: {  	s14 =	simm.s32 @!p2 $0x0;
	s29 =	sadd.s32 $0xFFFFF920, s0;
	s0 =	simm.s32 $0x0  }
0x3d: {  	p2 =	sne.s32 s1, $0x9;
	s30 =	sadd.s32 $0xFA0, s14;
	s31 =	sadd.s32 $0xF0, s14  }
.LBB2_6:
0x3e: {  	s19 =	smul.u32 @!p3 $0xA000, s14;
	_ =	sdelay $0x1  }
0x3f: {  	s19 =	sshrl.u32 @!p3 s19, $0x2  }
0x40: {  	s20 =	simm.s32 @!p3 $0x50;
	s19 =	sadd.s32 @!p3 $0x1F40, s19  }
0x41: {  	[tilespmem:s19], [sflag:$0x2] =	stream.indirect.gather @!p3 [hbm4b:s6+s20], $0x80, s31, s20, $0xb8;
	[tilespmem:$0x1FF40] =	vst v63  }
.LBB2_7:
0x42: {  	p3 =	por !p2, !p3  }
0x43: {  	p3 =	por !p3, !p3  }
0x44: {  	s14 =	smul.u32 @p3 $0xA000, s14;
	_ =	sdelay $0x1  }
0x45: {  	s1 =	sand.u32 $0x3, s1;
	s14 =	sshrl.u32 @p3 s14, $0x2  }
0x46: {  	s0 =	sadd.s32 $0x1, s0;
	s19 =	simm.s32 @p3 $0x50;
	s14 =	sadd.s32 @p3 $0x1F40, s14  }
0x47: {  	[tilespmem:s14], [sflag:$0x2] =	stream.indirect.gather @p3 [hbm4b:s6+s19], $0x80, s29, s19, $0xb8;
	[tilespmem:$0x1FF40] =	vst v63  }
0x48: {  	s1 =	smul.u32 $0xA000, s1;
	p3 =	seq.s32 s0, $0x19  }
.Ltmp5:
0x49: {  	_ =	swait.ge [sflag:s23], $0x2800;
	(pc) =	sbr.rel @p3 .LBB2_2-.Ltmp5, $4  }
0x4a: {  	s1 =	sshrl.u32 s1, $0x2;
	[sflag:s23] =	ssyncset.done $0x0  }
0x4b: {  	s1 =	sadd.s32 $0x1F40, s1;
	[sflag:s23] =	ssyncadd.s32 $0xFFFFD800  }
0x4c: {  	[spmem:s2] =	stream.indirect.scatter.add.f32 [tilespmem:s1], [sflag:$0x3], $0x80, s30, s18, $0xb8;
	[tilespmem:$0x1FF40] =	vst v63  }
0x4d: {  	s31 =	sadd.s32 $0x50, s31;
	s29 =	sadd.s32 $0x50, s29;
	s30 =	sadd.s32 $0x50, s30  }
.LBB2_4:
0x4e: {  	p4 =	sne.s32 @!p1 s0, $0x16  }
0x4f: {  	s1 =	sadd.s32 s0, s26;
	p4 =	por p1, p4  }
.Ltmp6:
0x50: {  	p3 =	seq.s32 s1, $0x0;
	(pc) =	sbr.rel @p4 .LBB2_6-.Ltmp6, $4  }
0x51: {  	s19 =	simm.s32 @!p3 $0x3  }
0x52: {  	_ =	swait.ge @!p3 [sflag:s19], $0x2800  }
0x53: {  	s14 =	sadd.s32 $0xFFFFFFFF, s1;
	[sflag:s19] =	ssyncset.done @!p3 $0x0  }
0x54: {  	s14 =	sand.u32 $0x3, s14;
	[sflag:s19] =	ssyncadd.s32 @!p3 $0xFFFFD800;
	p3 =	sgt.u32 s0, $0x15  }
0x55: {  	_ =	swait.ge [sflag:s17], $0x7D0  }
.Ltmp7:
0x56: {  	[sflag:s17] =	ssyncset.done $0x0;
	(pc) =	sbr.rel .LBB2_7-.Ltmp7, $4  }
0x57: {  	[sflag:s17] =	ssyncadd.s32 $0xFFFFF830  }
0x58: {  	_ =	swait.ge [sflag:s17], $0x7D0  }
0x59: {  	[sflag:s17] =	ssyncset.done $0x0  }
0x5a: {  	[sflag:s17] =	ssyncadd.s32 $0xFFFFF830  }
.LBB2_9:
0x5b: {  	_ =	sfence.sel $0x180000  }
0x5c: {  	[bflag:$0x0] =	sbarrier.arrive $0xFFFF  }
0x5d: {  	_ =	strace $0x9000004D  }
0x5e: {  	s0 =	stileid.u32;
	[bflag:$0x2] =	sbarrier.arrive $0xFFFF  }
0x5f: {  	p0 =	sne.s32 s0, $0x0;
	s0 =	rddreg [dreg:$0x2]  }
0x60: {  	s0 =	sadd.s32 @!p0 $0x100000, s0  }
0x61: {  	[sflag:s0] =	ssyncadd.tile.s32 @!p0 $0x1;
	_ =	shalt  }
.Lfunc_end2:
_tile_overlayer_lowered:
.L_overlay_start_2:
0x62: {  	(tag) =	ssettag $0x2  }
0x63: {  	s0 =	rddreg [dreg:$0x0];
	s2 =	stileid.u32  }
0x64: {  	s1 =	rddreg [dreg:$0x1];
	p0 =	sne.s32 s2, $0x0  }
0x65: {  	s3 =	rddreg [dreg:$0x2];
	[bflag:$0x3] =	sbarrier.arrive $0xFFFF;
	s2 =	simm.s32 @!p0 $0x1C04  }
0x66: {  	[timem:s3], [sflag:s2] =	dma.local @!p0 [hbm:s0], s1  }
0x67: {  	s0 =	simm.s32 @!p0 $0x4  }
0x68: {  	_ =	swait.ge @!p0 [sflag:s0], s1  }
0x69: {  	s1 =	ssub.s32 @!p0 $0x0, s1;
	[sflag:s0] =	ssyncset.done @!p0 $0x0  }
0x6a: {  	[sflag:s0] =	ssyncadd.s32 @!p0 s1  }
0x6b: {  	[bflag:$0x3] =	sbarrier.arrive $0xFFFF  }
0x6c: {  	_ =	shalt  }

// kernel: kernel.8.cloned.1.call-start
scs
__scs_entry_jumppad:
0x0: {  	(pc) =	sbr.rel $0x88, $3  }
0x1: {  	(tag) =	ssettag $0x0;
	lr =	simm.s32 $0x1  }
0x2: {  	[smem:$0x3F95] =	sst lr;
	_ =	strace $0xD0000000  }
0x3: {  	_ = 	snop  }
0x4: {  	_ = 	snop  }
0x5: {  	_ = 	snop  }
0x6: {  	_ = 	snop  }
0x7: {  	_ = 	snop  }
__scs_overlays_trampoline_lowered:
0x8: {  	[smem:$0x3FA4] =	sst s0  }
0x9: {  	[smem:$0x3FA5] =	sst s1  }
0xa: {  	[smem:$0x3FA6] =	sst s2  }
0xb: {  	[smem:$0x3FA7] =	sst s3  }
0xc: {  	[smem:$0x3FA8] =	sst s4  }
0xd: {  	[smem:$0x3FA9] =	sst s5  }
0xe: {  	[smem:$0x3FAA] =	sst s6  }
0xf: {  	[smem:$0x3FAB] =	sst s7  }
0x10: {  	[smem:$0x3FAC] =	sst s8  }
0x11: {  	[smem:$0x3FAD] =	sst s9;
	s0 =	simm.s32 @!p0 $0x0  }
0x12: {  	s1 =	sld [smem:$0x3F93];
	s0 =	simm.s32 @p0 $0x1  }
0x13: {  	[smem:$0x3FAE] =	sst s0;
	s0 =	simm.s32 @!p1 $0x0  }
0x14: {  	s2 =	sld [smem:$0x3F92];
	s0 =	simm.s32 @p1 $0x1  }
0x15: {  	[smem:$0x3FAF] =	sst s0;
	s0 =	simm.s32 @!p2 $0x0  }
0x16: {  	s3 =	sld [smem:$0x3FDB];
	s0 =	simm.s32 @p2 $0x1  }
0x17: {  	s4 =	simm.s32 $0x1BF5;
	[smem:$0x3FB1] =	sst s0  }
0x18: {  	s0 =	sld [smem:$0x3F94];
	_ =	swait.ge [sflag:s4], $0x0  }
0x19: {  	s7 =	sld [smem:$0x3F95]  }
0x1a: {  	s8 =	sadd.s32 $0xFFFFE003, lr  }
0x1b: {  	s9 =	sadd.s32 $0xFFFFFEF7, lr;
	s5 =	simm.s32 $0xFFFFFFFF;
	p2 =	slt.u32 s8, $0xFFFFF086  }
0x1c: {  	p1 =	slt.u32 s9, $0xF7A;
	s5 =	simm.s32 @!p2 $0x0  }
0x1d: {  	s5 =	simm.s32 @p1 $0x1;
	p0 =	seq.s32 s7, s2  }
0x1e: {  	s7 =	smul.u32 @!p0 $0xF7A, s2;
	p2 =	seq.s32 @!p0 s5, $0x0  }
0x1f: {  	s9 =	smul.u32 $0xF7A, s1;
	s8 =	simm.s32 @!p0 $0x1BF5;
	p2 =	por !p2, p0  }
0x20: {  	[sflag:s8] =	ssyncset.s32 @!p0 $0xFFFFF086;
	s6 =	sadd.s32 @!p0 s3, s7;
	s7 =	simm.s32 @!p0 $0x108  }
0x21: {  	s3 =	sadd.s32 s3, s9;
	s6 =	sadd.s32 @!p0 $0x88, s6;
	s7 =	simm.s32 @p2 $0x1082  }
0x22: {  	[simem:s7], [sflag:s8] =	dma.local @!p0 [hbm:s6], $0xF7A  }
0x23: {  	s9 =	sor.u32 $0xD0000000, s2;
	s6 =	simm.s32 $0x108;
	_ =	swait.ge @!p0 [sflag:s8], $0x0  }
0x24: {  	s3 =	sadd.s32 $0x88, s3;
	s6 =	simm.s32 @!p1 $0x1082;
	[sflag:s4] =	ssyncset.s32 $0xFFFFF086  }
0x25: {  	[simem:s6], [sflag:s4] =	dma.local [hbm:s3], $0xF7A  }
0x26: {  	[smem:$0x3F95] =	sst s1;
	(tag) =	ssettag s2;
	_ =	strace s9  }
0x27: {  	s1 =	sld [smem:$0x3FA5]  }
0x28: {  	s2 =	sld [smem:$0x3FA6]  }
0x29: {  	s4 =	sld [smem:$0x3FA8]  }
0x2a: {  	p0 =	seq.s32 s5, $0x0;
	s5 =	sld [smem:$0x3FA9]  }
0x2b: {  	s6 =	sld [smem:$0x3FAA]  }
0x2c: {  	s7 =	sld [smem:$0x3FAB]  }
0x2d: {  	s3 =	simm.s32 $0x108;
	s8 =	sld [smem:$0x3FAC]  }
0x2e: {  	s3 =	simm.s32 @!p0 $0x1082;
	s9 =	sld [smem:$0x3FAD]  }
0x2f: {  	lr =	sadd.s32 s0, s3;
	s0 =	sld [smem:$0x3FA4]  }
0x30: {  	s3 =	sld [smem:$0x3FA7]  }
0x31: {  	[smem:$0x3FB0] =	sst s10  }
0x32: {  	s10 =	sld [smem:$0x3FAE];
	_ =	sdelay $0x3  }
0x33: {  	p0 =	seq.s32 s10, $0x1;
	s10 =	sld [smem:$0x3FB0];
	_ =	sdelay $0x3  }
0x34: {  	[smem:$0x3FB0] =	sst s10  }
0x35: {  	s10 =	sld [smem:$0x3FAF];
	_ =	sdelay $0x3  }
0x36: {  	p1 =	seq.s32 s10, $0x1;
	s10 =	sld [smem:$0x3FB0];
	_ =	sdelay $0x3  }
0x37: {  	[smem:$0x3FB0] =	sst s10  }
0x38: {  	s10 =	sld [smem:$0x3FB1]  }
0x39: {  	_ = 	snop;
	(pc) =	sbr.ind lr, $3  }
0x3a: {  	_ = 	snop  }
0x3b: {  	_ = 	snop  }
0x3c: {  	p2 =	seq.s32 s10, $0x1;
	s10 =	sld [smem:$0x3FB0]  }
0x3d: {  	_ =	shalt  }
0x3e: {  	_ =	shalt  }
0x3f: {  	_ =	shalt  }
0x40: {  	_ =	shalt  }
0x41: {  	_ =	shalt  }
0x42: {  	_ =	shalt  }
0x43: {  	_ =	shalt  }
0x44: {  	_ =	shalt  }
0x45: {  	_ =	shalt  }
0x46: {  	_ =	shalt  }
0x47: {  	_ =	shalt  }
0x48: {  	_ =	shalt  }
0x49: {  	_ =	shalt  }
0x4a: {  	_ =	shalt  }
0x4b: {  	_ =	shalt  }
0x4c: {  	_ =	shalt  }
0x4d: {  	_ =	shalt  }
0x4e: {  	_ =	shalt  }
0x4f: {  	_ =	shalt  }
0x50: {  	_ =	shalt  }
0x51: {  	_ =	shalt  }
0x52: {  	_ =	shalt  }
0x53: {  	_ =	shalt  }
0x54: {  	_ =	shalt  }
0x55: {  	_ =	shalt  }
0x56: {  	_ =	shalt  }
0x57: {  	_ =	shalt  }
0x58: {  	_ =	shalt  }
0x59: {  	_ =	shalt  }
0x5a: {  	_ =	shalt  }
0x5b: {  	_ =	shalt  }
0x5c: {  	_ =	shalt  }
0x5d: {  	_ =	shalt  }
0x5e: {  	_ =	shalt  }
0x5f: {  	_ =	shalt  }
0x60: {  	_ =	shalt  }
0x61: {  	_ =	shalt  }
0x62: {  	_ =	shalt  }
0x63: {  	_ =	shalt  }
0x64: {  	_ =	shalt  }
0x65: {  	_ =	shalt  }
0x66: {  	_ =	shalt  }
0x67: {  	_ =	shalt  }
0x68: {  	_ =	shalt  }
0x69: {  	_ =	shalt  }
0x6a: {  	_ =	shalt  }
0x6b: {  	_ =	shalt  }
0x6c: {  	_ =	shalt  }
0x6d: {  	_ =	shalt  }
0x6e: {  	_ =	shalt  }
0x6f: {  	_ =	shalt  }
0x70: {  	_ =	shalt  }
0x71: {  	_ =	shalt  }
0x72: {  	_ =	shalt  }
0x73: {  	_ =	shalt  }
0x74: {  	_ =	shalt  }
0x75: {  	_ =	shalt  }
0x76: {  	_ =	shalt  }
0x77: {  	_ =	shalt  }
0x78: {  	_ =	shalt  }
0x79: {  	_ =	shalt  }
0x7a: {  	_ =	shalt  }
0x7b: {  	_ =	shalt  }
0x7c: {  	_ =	shalt  }
0x7d: {  	_ =	shalt  }
0x7e: {  	_ =	shalt  }
0x7f: {  	_ =	shalt  }
0x80: {  	_ =	shalt  }
0x81: {  	_ =	shalt  }
0x82: {  	_ =	shalt  }
0x83: {  	_ =	shalt  }
0x84: {  	_ =	shalt  }
0x85: {  	_ =	shalt  }
0x86: {  	_ =	shalt  }
0x87: {  	_ =	shalt  }
.Lfunc_end0:
.L_simem_size_0:
called_computation_lowered:
.L_overlay_start_0:
0x88: {  	s2 =	sld [smem:$0x3FD9]  }
0x89: {  	s3 =	sld [smem:$0x3FFE];
	_ =	sdelay $0x1  }
0x8a: {  	s1 =	srdreg.scid  }
0x8b: {  	s0 =	sand.u32 $0x1, s1  }
0x8c: {  	s17 =	sshll.u32 s0, $0xA;
	s2 =	sadd.s32 s3, s2  }
0x8d: {  	s2 =	sadd.s32 s2, s17  }
0x8e: {  	[smem:$0x3FBC] =	sst s2  }
0x8f: {  	_ = 	snop  }
0x90: {  	s2 =	sld [smem:$0x3FD0];
	(tm) =	ssettm $0x1  }
0x91: {  	s18 =	sld [smem:$0x3FFB];
	_ =	sdelay $0x3  }
0x92: {  	_ =	strace s18  }
0x93: {  	s3 =	sld [smem:$0x3FFC];
	_ =	sdelay $0x3  }
0x94: {  	_ =	strace s3  }
0x95: {  	s3 =	sld [smem:$0x3FFD];
	_ =	sdelay $0x3  }
0x96: {  	_ =	strace s3  }
0x97: {  	_ =	strace $0x8FFFFFFF  }
0x98: {  	s19 =	sld [smem:$0x3FDB];
	_ =	sdelay $0x1  }
0x99: {  	s4 =	simm.s32 $_scs_section_size  }
0x9a: {  	s5 =	simm.s32 $_size__tile_overlayer_lowered;
	s6 =	simm.s32 $_tile_overlayer_lowered  }
0x9b: {  	s22 =	simm.s32 $0x1BFF;
	s21 =	sshll.u32 s6, $0x1;
	s3 =	sadd.s32 s4, s19  }
0x9c: {  	s7 =	simm.s32 $0x0;
	s20 =	sshll.u32 s5, $0x1;
	s5 =	sadd.s32 s21, s3  }
0x9d: {  	[timem:s7], [sflag:s22] =	dma.local [hbm:s5], s20  }
0x9e: {  	_ =	swait.ge [sflag:s22], s20  }
0x9f: {  	s4 =	ssub.s32 $0x0, s20;
	[sflag:s22] =	ssyncset.done $0x0  }
0xa0: {  	[sflag:s22] =	ssyncadd.s32 s4;
	_ =	sdelay $0x1  }
0xa1: {  	s23 =	simm.s32 $0x1B8B  }
0xa2: {  	_ =	swait.ge [sflag:s23], $0x1  }
0xa3: {  	[sflag:s23] =	ssyncset.done $0x0  }
0xa4: {  	s25 =	simm.s32 $0x1B8E;
	s24 =	sld [smem:$0x3FFE];
	[sflag:s23] =	ssyncadd.s32 $0xFFFFFFFF  }
0xa5: {  	s26 =	simm.s32 $execute0_lowered;
	[smem:$0x3FD2] =	sst s25  }
0xa6: {  	s5 =	sshll.u32 s26, $0x1;
	_ =	strace $0x80000046;
	[dreg:$0x1] =	wrdreg $0xFFFFFFFF  }
0xa7: {  	s28 =	simm.s32 $_size_execute0_lowered;
	s3 =	sadd.s32 s3, s5;
	[dreg:$0x0] =	wrdreg $0x0  }
0xa8: {  	s5 =	sshll.u32 s28, $0x1;
	[dreg:$0x2] =	wrdreg s3  }
0xa9: {  	[dreg:$0x3] =	wrdreg s5  }
0xaa: {  	[dreg:$0x4] =	wrdreg $0xC0  }
0xab: {  	_ =	task [dreg:s7], $0x5FFFF  }
0xac: {  	[dreg:$0x1] =	wrdreg $0xFFFFFFFF  }
0xad: {  	[dreg:$0x0] =	wrdreg $0x60  }
0xae: {  	[dreg:$0x2] =	wrdreg s2  }
0xaf: {  	[dreg:$0x3] =	wrdreg s24  }
0xb0: {  	[dreg:$0x4] =	wrdreg $0x1BD00  }
0xb1: {  	[dreg:$0x5] =	wrdreg $0x9  }
0xb2: {  	_ =	task.clear_ibuf [dreg:s7], $0x6FFFF;
	_ =	strace $0x90000046  }
0xb3: {  	s29 =	simm.s32 $0x9;
	_ =	strace $0x80000048  }
0xb4: {  	_ =	swait.ge [sflag:s29], $0x1  }
0xb5: {  	[sflag:s29] =	ssyncadd.s32 $0xFFFFFFFF  }
0xb6: {  	_ =	strace $0x90000048  }
0xb7: {  	_ =	sfence  }
0xb8: {  	s30 =	sld [smem:$0x0];
	_ =	sdelay $0x2  }
0xb9: {  	s31 =	sshll.u32 s1, $0xD;
	s1 =	sshrl.u32 s1, $0x2  }
0xba: {  	s3 =	sand.u32 $0x4000, s31;
	s1 =	sadd.s32 s1, s30  }
0xbb: {  	s0 =	sor.u32 s3, s0;
	s1 =	sshll.u32 s1, $0x11  }
0xbc: {  	s0 =	sor.u32 s1, s0  }
0xbd: {  	s0 =	sadd.s32 $0x8F2B, s0  }
0xbe: {  	[sflag:s0] =	ssyncadd.remote.s32 $0x1  }
0xbf: {  	_ =	sfence.sel $0xFFFF  }
0xc0: {  	[dreg:$0x0] =	wrdreg $0xFFFFFFFF;
	(pc) =	sbr.abs _section_cstart, $3  }
0xc1: {  	[dreg:$0x1] =	wrdreg $0xFFFFFFFF  }
0xc2: {  	_ =	task.clear_ibuf [dreg:s7], $0x2FFFF;
	_ =	strace $0x9FFFFFFF  }
0xc3: {  	(tm) =	ssettm $0x7FFFFFFF  }
tec
execute0_lowered:
.L_overlay_start_1:
0x0: {  	(tag) =	ssettag $0x1  }
0x1: {  	s9 =	rddreg [dreg:$0x0]  }
0x2: {  	s6 =	rddreg [dreg:$0x1]  }
0x3: {  	s2 =	rddreg [dreg:$0x2]  }
0x4: {  	s0 =	rddreg [dreg:$0x3]  }
0x5: {  	s4 =	srdreg.scid;
	s1 =	stileid.u32;
	s3 =	simm.s32 $0x0  }
0x6: {  	s14 =	simm.s32 $0x1;
	s15 =	simm.s32 $0x7D;
	s8 =	smul.u32 $0x2800, s1  }
0x7: {  	s16 =	simm.s32 $0x2;
	s7 =	sand.u32 $0x1, s4;
	s12 =	smul.u32 $0x5000, s1  }
0x8: {  	s17 =	simm.s32 $0x0;
	[smem:$0x7FF] =	sst s3;
	s5 =	smul.u32 $0x28000, s7  }
0x9: {  	s4 =	sadd.s32 $0x2A00, s6;
	s10 =	smul.u32 $0x50000, s7;
	s7 =	ssub.s32 $0x2, s7  }
0xa: {  	s31 =	sshll.u32 s1, $0x6;
	_ =	strace $0x80000047;
	s26 =	sshrl.u32 s7, $0x1  }
0xb: {  	s13 =	sadd.s32 s8, s2;
	s11 =	sadd.s32 s8, s5;
	s5 =	sadd.s32 $0x2C00, s6  }
0xc: {  	s10 =	sadd.s32 s12, s10;
	s28 =	ssub.s32 s7, s26;
	s12 =	sor.u32 $0x1C03, s31  }
0xd: {  	s13 =	sshrl.u32 s13, $0x3;
	s11 =	sshrl.u32 s11, $0x3;
	s29 =	sshrl.u32 s10, $0x3  }
0xe: {  	s30 =	sor.u32 $0xA00, s10;
	s8 =	smax.u32 s28, $0x1;
	s11 =	sadd.s32 s11, s6  }
0xf: {  	s6 =	sadd.s32 s9, s29;
	s10 =	sshrl.u32 s30, $0x3;
	s7 =	sadd.s32 $0x3200, s11  }
0x10: {  	s9 =	sadd.s32 s10, s9;
	s10 =	simm.s32 $0x1400;
	s11 =	simm.s32 $0x3  }
.LBB2_1:
0x11: {  	[tilespmem:s3], [sflag:$0x1] =	stream.linear.gather [hbm4b:s6+s3], $0xA00, $0x38;
	[tilespmem:$0x43D0] =	vst v63  }
0x12: {  	_ = 	snop  }
0x13: {  	[tilespmem:s10], [sflag:$0x3] =	stream.linear.gather [hbm4b:s4+s3], $0x7D0, $0x38;
	[tilespmem:$0x43D0] =	vst v63  }
0x14: {  	_ =	swait.ge [sflag:s11], $0x7D0  }
0x15: {  	[sflag:s11] =	ssyncset.done $0x0  }
0x16: {  	[sflag:s11] =	ssyncadd.s32 $0xFFFFF830  }
0x17: {  	[spmem:s13], [sflag:s12] =	dma.local [hbm:s5], $0x500  }
0x18: {  	_ =	swait.ge [sflag:s11], $0x500  }
0x19: {  	[sflag:s11] =	ssyncset.done $0x0  }
0x1a: {  	[sflag:s11] =	ssyncadd.s32 $0xFFFFFB00  }
0x1b: {  	_ =	swait.ge [sflag:s14], $0xA00  }
0x1c: {  	[sflag:s14] =	ssyncset.done $0x0  }
0x1d: {  	[sflag:s14] =	ssyncadd.s32 $0xFFFFF600  }
0x1e: {  	s18 =	smov.u32 s9;
	s20 =	simm.s32 $0x0;
	[bflag:$0x0] =	sbarrier.arrive $0xFFFF  }
.LBB2_2:
0x1f: {  	s19 =	sadd.s32 $0x1, s20;
	p0 =	seq.s32 s20, $0x7  }
0x20: {  	s21 =	sand.u32 @!p0 $0x1, s19  }
0x21: {  	p1 =	seq.s32 @!p0 s21, $0x1  }
0x22: {  	s21 =	simm.s32 @!p0 $0xA00;
	p1 =	por !p1, p0  }
0x23: {  	s22 =	simm.s32 @!p0 $0x0;
	s21 =	simm.s32 @p1 $0x0  }
0x24: {  	[tilespmem:s21], [sflag:$0x1] =	stream.linear.gather @!p0 [hbm4b:s18+s22], $0xA00, $0x38;
	[tilespmem:$0x43D0] =	vst v63  }
0x25: {  	s21 =	sand.u32 $0x1, s20  }
0x26: {  	s20 =	simm.s32 $0xA00;
	p1 =	seq.s32 s21, $0x1  }
0x27: {  	s20 =	simm.s32 @!p1 $0x0  }
0x28: {  	[spmem:s2] =	stream.indirect.scatter.add.f32 [tilespmem:s10], [sflag:$0x2], $0x10, s20, s15, $0xb8;
	[tilespmem:$0x43D0] =	vst v63  }
0x29: {  	s22 =	sor.u32 $0x80, s20  }
0x2a: {  	[spmem:s2] =	stream.indirect.scatter.add.f32 [tilespmem:s10], [sflag:$0x2], $0x10, s22, s15, $0xb8;
	[tilespmem:$0x43D0] =	vst v63  }
0x2b: {  	s23 =	sor.u32 $0x100, s20  }
0x2c: {  	[spmem:s2] =	stream.indirect.scatter.add.f32 [tilespmem:s10], [sflag:$0x2], $0x10, s23, s15, $0xb8;
	[tilespmem:$0x43D0] =	vst v63  }
0x2d: {  	s24 =	sor.u32 $0x180, s20  }
0x2e: {  	[spmem:s2] =	stream.indirect.scatter.add.f32 [tilespmem:s10], [sflag:$0x2], $0x10, s24, s15, $0xb8;
	[tilespmem:$0x43D0] =	vst v63  }
0x2f: {  	s25 =	sadd.s32 $0x200, s20  }
0x30: {  	[spmem:s2] =	stream.indirect.scatter.add.f32 [tilespmem:s10], [sflag:$0x2], $0x10, s25, s15, $0xb8;
	[tilespmem:$0x43D0] =	vst v63  }
0x31: {  	s26 =	sadd.s32 $0x280, s20  }
0x32: {  	[spmem:s2] =	stream.indirect.scatter.add.f32 [tilespmem:s10], [sflag:$0x2], $0x10, s26, s15, $0xb8;
	[tilespmem:$0x43D0] =	vst v63  }
0x33: {  	s28 =	sadd.s32 $0x300, s20  }
0x34: {  	[spmem:s2] =	stream.indirect.scatter.add.f32 [tilespmem:s10], [sflag:$0x2], $0x10, s28, s15, $0xb8;
	[tilespmem:$0x43D0] =	vst v63  }
0x35: {  	s29 =	sadd.s32 $0x380, s20  }
0x36: {  	[spmem:s2] =	stream.indirect.scatter.add.f32 [tilespmem:s10], [sflag:$0x2], $0x10, s29, s15, $0xb8;
	[tilespmem:$0x43D0] =	vst v63  }
0x37: {  	s30 =	sor.u32 $0x400, s20  }
0x38: {  	[spmem:s2] =	stream.indirect.scatter.add.f32 [tilespmem:s10], [sflag:$0x2], $0x10, s30, s15, $0xb8;
	[tilespmem:$0x43D0] =	vst v63  }
0x39: {  	s31 =	sor.u32 $0x480, s20  }
0x3a: {  	[spmem:s2] =	stream.indirect.scatter.add.f32 [tilespmem:s10], [sflag:$0x2], $0x10, s31, s15, $0xb8;
	[tilespmem:$0x43D0] =	vst v63  }
0x3b: {  	s22 =	sor.u32 $0x500, s20  }
0x3c: {  	[spmem:s2] =	stream.indirect.scatter.add.f32 [tilespmem:s10], [sflag:$0x2], $0x10, s22, s15, $0xb8;
	[tilespmem:$0x43D0] =	vst v63  }
0x3d: {  	s23 =	sor.u32 $0x580, s20  }
0x3e: {  	[spmem:s2] =	stream.indirect.scatter.add.f32 [tilespmem:s10], [sflag:$0x2], $0x10, s23, s15, $0xb8;
	[tilespmem:$0x43D0] =	vst v63  }
0x3f: {  	s24 =	sadd.s32 $0x600, s20  }
0x40: {  	[spmem:s2] =	stream.indirect.scatter.add.f32 [tilespmem:s10], [sflag:$0x2], $0x10, s24, s15, $0xb8;
	[tilespmem:$0x43D0] =	vst v63  }
0x41: {  	s25 =	sadd.s32 $0x680, s20  }
0x42: {  	[spmem:s2] =	stream.indirect.scatter.add.f32 [tilespmem:s10], [sflag:$0x2], $0x10, s25, s15, $0xb8;
	[tilespmem:$0x43D0] =	vst v63  }
0x43: {  	s26 =	sadd.s32 $0x700, s20  }
0x44: {  	[spmem:s2] =	stream.indirect.scatter.add.f32 [tilespmem:s10], [sflag:$0x2], $0x10, s26, s15, $0xb8;
	[tilespmem:$0x43D0] =	vst v63  }
0x45: {  	s28 =	sadd.s32 $0x780, s20  }
0x46: {  	[spmem:s2] =	stream.indirect.scatter.add.f32 [tilespmem:s10], [sflag:$0x2], $0x10, s28, s15, $0xb8;
	[tilespmem:$0x43D0] =	vst v63  }
0x47: {  	s29 =	sadd.s32 $0x800, s20  }
0x48: {  	[spmem:s2] =	stream.indirect.scatter.add.f32 [tilespmem:s10], [sflag:$0x2], $0x10, s29, s15, $0xb8;
	[tilespmem:$0x43D0] =	vst v63  }
0x49: {  	s30 =	sadd.s32 $0x880, s20  }
0x4a: {  	[spmem:s2] =	stream.indirect.scatter.add.f32 [tilespmem:s10], [sflag:$0x2], $0x10, s30, s15, $0xb8;
	[tilespmem:$0x43D0] =	vst v63  }
0x4b: {  	s31 =	sadd.s32 $0x900, s20  }
0x4c: {  	[spmem:s2] =	stream.indirect.scatter.add.f32 [tilespmem:s10], [sflag:$0x2], $0x10, s31, s15, $0xb8;
	[tilespmem:$0x43D0] =	vst v63  }
0x4d: {  	s20 =	sadd.s32 $0x980, s20  }
0x4e: {  	[spmem:s2] =	stream.indirect.scatter.add.f32 [tilespmem:s10], [sflag:$0x2], $0x10, s20, s15, $0xb8;
	[tilespmem:$0x43D0] =	vst v63  }
0x4f: {  	_ =	swait.ge [sflag:s16], $0x7D0  }
0x50: {  	[sflag:s16] =	ssyncset.done $0x0  }
0x51: {  	[sflag:s16] =	ssyncadd.s32 $0xFFFFF830  }
0x52: {  	_ =	swait.ge [sflag:s16], $0x7D0  }
0x53: {  	[sflag:s16] =	ssyncset.done $0x0  }
0x54: {  	[sflag:s16] =	ssyncadd.s32 $0xFFFFF830  }
0x55: {  	_ =	swait.ge [sflag:s16], $0x7D0  }
0x56: {  	[sflag:s16] =	ssyncset.done $0x0  }
0x57: {  	[sflag:s16] =	ssyncadd.s32 $0xFFFFF830  }
0x58: {  	_ =	swait.ge [sflag:s16], $0x7D0  }
0x59: {  	[sflag:s16] =	ssyncset.done $0x0  }
0x5a: {  	[sflag:s16] =	ssyncadd.s32 $0xFFFFF830  }
0x5b: {  	_ =	swait.ge [sflag:s16], $0x7D0  }
0x5c: {  	[sflag:s16] =	ssyncset.done $0x0  }
0x5d: {  	[sflag:s16] =	ssyncadd.s32 $0xFFFFF830  }
0x5e: {  	_ =	swait.ge [sflag:s16], $0x7D0  }
0x5f: {  	[sflag:s16] =	ssyncset.done $0x0  }
0x60: {  	[sflag:s16] =	ssyncadd.s32 $0xFFFFF830  }
0x61: {  	_ =	swait.ge [sflag:s16], $0x7D0  }
0x62: {  	[sflag:s16] =	ssyncset.done $0x0  }
0x63: {  	[sflag:s16] =	ssyncadd.s32 $0xFFFFF830  }
0x64: {  	_ =	swait.ge [sflag:s16], $0x7D0  }
0x65: {  	[sflag:s16] =	ssyncset.done $0x0  }
0x66: {  	[sflag:s16] =	ssyncadd.s32 $0xFFFFF830  }
0x67: {  	_ =	swait.ge [sflag:s16], $0x7D0  }
0x68: {  	[sflag:s16] =	ssyncset.done $0x0  }
0x69: {  	[sflag:s16] =	ssyncadd.s32 $0xFFFFF830  }
0x6a: {  	_ =	swait.ge [sflag:s16], $0x7D0  }
0x6b: {  	[sflag:s16] =	ssyncset.done $0x0  }
0x6c: {  	[sflag:s16] =	ssyncadd.s32 $0xFFFFF830  }
0x6d: {  	_ =	swait.ge [sflag:s16], $0x7D0  }
0x6e: {  	[sflag:s16] =	ssyncset.done $0x0  }
0x6f: {  	[sflag:s16] =	ssyncadd.s32 $0xFFFFF830  }
0x70: {  	_ =	swait.ge [sflag:s16], $0x7D0  }
0x71: {  	[sflag:s16] =	ssyncset.done $0x0  }
0x72: {  	[sflag:s16] =	ssyncadd.s32 $0xFFFFF830  }
0x73: {  	_ =	swait.ge [sflag:s16], $0x7D0  }
0x74: {  	[sflag:s16] =	ssyncset.done $0x0  }
0x75: {  	[sflag:s16] =	ssyncadd.s32 $0xFFFFF830  }
0x76: {  	_ =	swait.ge [sflag:s16], $0x7D0  }
0x77: {  	[sflag:s16] =	ssyncset.done $0x0  }
0x78: {  	[sflag:s16] =	ssyncadd.s32 $0xFFFFF830  }
0x79: {  	_ =	swait.ge [sflag:s16], $0x7D0  }
0x7a: {  	[sflag:s16] =	ssyncset.done $0x0  }
0x7b: {  	[sflag:s16] =	ssyncadd.s32 $0xFFFFF830  }
0x7c: {  	_ =	swait.ge [sflag:s16], $0x7D0  }
0x7d: {  	[sflag:s16] =	ssyncset.done $0x0  }
0x7e: {  	[sflag:s16] =	ssyncadd.s32 $0xFFFFF830  }
0x7f: {  	_ =	swait.ge [sflag:s16], $0x7D0  }
0x80: {  	[sflag:s16] =	ssyncset.done $0x0  }
0x81: {  	[sflag:s16] =	ssyncadd.s32 $0xFFFFF830  }
0x82: {  	_ =	swait.ge [sflag:s16], $0x7D0  }
0x83: {  	[sflag:s16] =	ssyncset.done $0x0  }
0x84: {  	[sflag:s16] =	ssyncadd.s32 $0xFFFFF830  }
0x85: {  	_ =	swait.ge [sflag:s16], $0x7D0  }
0x86: {  	[sflag:s16] =	ssyncset.done $0x0  }
0x87: {  	p1 =	sne.s32 @!p0 s19, $0x8;
	[sflag:s16] =	ssyncadd.s32 $0xFFFFF830  }
0x88: {  	p1 =	por p0, !p1;
	_ =	swait.ge [sflag:s16], $0x7D0  }
.Ltmp0:
0x89: {  	[sflag:s16] =	ssyncset.done $0x0;
	(pc) =	sbr.rel @!p1 .LBB2_2-.Ltmp0, $4  }
0x8a: {  	s20 =	simm.s32 @!p0 $0x1;
	[sflag:s16] =	ssyncadd.s32 $0xFFFFF830  }
0x8b: {  	_ =	swait.ge @!p0 [sflag:s20], $0xA00  }
0x8c: {  	[sflag:s20] =	ssyncset.done @!p0 $0x0  }
0x8d: {  	s18 =	sadd.s32 @!p0 $0x140, s18;
	[sflag:s20] =	ssyncadd.s32 @!p0 $0xFFFFF600;
	s20 =	smov.u32 s19  }
0x8e: {  	s17 =	sadd.s32 $0x1, s17  }
0x8f: {  	p0 =	sne.s32 s17, s8  }
.Ltmp1:
0x90: {  	[bflag:$0x0] =	sbarrier.arrive $0xFFFF;
	(pc) =	sbr.rel @p0 .LBB2_1-.Ltmp1, $4  }
0x91: {  	[hbm:s7], [sflag:s12] =	dma.local [spmem:s13], $0x500  }
0x92: {  	_ =	swait.ge [sflag:s11], $0x500  }
0x93: {  	[sflag:s11] =	ssyncset.done $0x0  }
0x94: {  	[sflag:s11] =	ssyncadd.s32 $0xFFFFFB00  }
0x95: {  	_ =	sfence.sel $0x180000  }
0x96: {  	[bflag:$0x0] =	sbarrier.arrive $0xFFFF  }
0x97: {  	p0 =	sne.s32 s1, $0x0;
	_ =	strace $0x90000047  }
0x98: {  	s0 =	sadd.s32 @!p0 $0x100000, s0;
	[bflag:$0x2] =	sbarrier.arrive $0xFFFF  }
0x99: {  	[sflag:s0] =	ssyncadd.tile.s32 @!p0 $0x1;
	_ =	shalt  }
.Lfunc_end2:
_tile_overlayer_lowered:
.L_overlay_start_2:
0x9a: {  	(tag) =	ssettag $0x2  }
0x9b: {  	s0 =	rddreg [dreg:$0x0];
	s2 =	stileid.u32  }
0x9c: {  	s1 =	rddreg [dreg:$0x1];
	p0 =	sne.s32 s2, $0x0  }
0x9d: {  	s3 =	rddreg [dreg:$0x2];
	[bflag:$0x3] =	sbarrier.arrive $0xFFFF;
	s2 =	simm.s32 @!p0 $0x1C03  }
0x9e: {  	[timem:s3], [sflag:s2] =	dma.local @!p0 [hbm:s0], s1  }
0x9f: {  	s0 =	simm.s32 @!p0 $0x3  }
0xa0: {  	_ =	swait.ge @!p0 [sflag:s0], s1  }
0xa1: {  	s1 =	ssub.s32 @!p0 $0x0, s1;
	[sflag:s0] =	ssyncset.done @!p0 $0x0  }
0xa2: {  	[sflag:s0] =	ssyncadd.s32 @!p0 s1  }
0xa3: {  	[bflag:$0x3] =	sbarrier.arrive $0xFFFF  }
0xa4: {  	_ =	shalt  }

</sc_bundles>
